<compile_context>
chip_gen: v7x
topology: tpu7x:2x2x1
jax: 0.10.2.dev20260603
libtpu: 0.0.44.dev20260713+nightly
codegen_flags: <defaults>
</compile_context>

<pallas_src>
import functools
import math

import jax
import jax.numpy as jnp
from jax import lax
from jax.experimental import pallas as pl
from jax.experimental.pallas import tpu as pltpu
from jax.experimental.pallas import tpu_sc as plsc

DIM = 1024
HS = 1024
HL = 4096
TEMP = 1.0
CAP_FACTOR = 1.0

R = 512
HC = 1024
NJ = HL // HC


def _ffn_body(ns_ref, xp_ref, sw1_ref, sw3_ref, sw2_ref,
              lw1_ref, lw3_ref, lw2_ref,
              sb1_ref, sb3_ref, sb2_ref, lb1_ref, lb3_ref, lb2_ref,
              out_ref, acc_ref):
    j = pl.program_id(0)
    i = pl.program_id(1)
    ns = ns_ref[0]
    row0 = i * R
    has_small = row0 < ns
    has_large = (row0 + R) > ns

    @pl.when((j == 0) & has_small)
    def _small():
        x = xp_ref[...]
        a = jnp.dot(x, sw1_ref[...], preferred_element_type=jnp.float32)
        b = jnp.dot(x, sw3_ref[...], preferred_element_type=jnp.float32)
        a = a + sb1_ref[...]
        b = b + sb3_ref[...]
        h = (a * jax.nn.sigmoid(a)) * b
        acc_ref[pl.ds(row0, R), :] = (
            jnp.dot(h, sw2_ref[...], preferred_element_type=jnp.float32)
            + sb2_ref[...])

    @pl.when(has_large)
    def _large():
        x = xp_ref[...]
        a = jnp.dot(x, lw1_ref[...], preferred_element_type=jnp.float32)
        b = jnp.dot(x, lw3_ref[...], preferred_element_type=jnp.float32)
        a = a + lb1_ref[...]
        b = b + lb3_ref[...]
        h = (a * jax.nn.sigmoid(a)) * b
        partial = jnp.dot(h, lw2_ref[...], preferred_element_type=jnp.float32)
        rows = row0 + jax.lax.broadcasted_iota(jnp.int32, (R, 1), 0)
        is_large_row = rows >= ns

        @pl.when(j == 0)
        def _init():
            @pl.when(has_small)
            def _masked():
                acc_ref[pl.ds(row0, R), :] = jnp.where(
                    is_large_row, partial + lb2_ref[...],
                    acc_ref[pl.ds(row0, R), :])

            @pl.when(jnp.logical_not(has_small))
            def _plain():
                acc_ref[pl.ds(row0, R), :] = partial + lb2_ref[...]

        @pl.when(j > 0)
        def _acc():
            @pl.when(has_small)
            def _masked():
                cur = acc_ref[pl.ds(row0, R), :]
                acc_ref[pl.ds(row0, R), :] = jnp.where(is_large_row,
                                                       cur + partial, cur)

            @pl.when(jnp.logical_not(has_small))
            def _plain():
                acc_ref[pl.ds(row0, R), :] += partial

    @pl.when(j == NJ - 1)
    def _emit():
        out_ref[...] = acc_ref[pl.ds(row0, R), :]


def _dual_ffn(ns, xp, s_w1, s_w3, s_w2, l_w1, l_w3, l_w2,
              s_b1, s_b3, s_b2, l_b1, l_b3, l_b2, *, interpret=False):
    tokens = xp.shape[0]
    nr = tokens // R

    def block_has_large(i, ns_ref):
        return (i + 1) * R > ns_ref[0]

    def x_map(j, i, ns_ref):
        return (jnp.where((j == 0) | block_has_large(i, ns_ref), i, 0), 0)

    def lw_cols(j, i, ns_ref):
        return (0, jnp.where(ns_ref[0] < tokens, j, 0))

    def lw2_rows(j, i, ns_ref):
        return (jnp.where(ns_ref[0] < tokens, j, 0), 0)

    def out_map(j, i, ns_ref):
        return (jnp.where(j == NJ - 1, i, 0), 0)

    grid_spec = pltpu.PrefetchScalarGridSpec(
        num_scalar_prefetch=1,
        grid=(NJ, nr),
        in_specs=[
            pl.BlockSpec((R, DIM), x_map),
            pl.BlockSpec((DIM, HS), lambda j, i, ns_ref: (0, 0)),
            pl.BlockSpec((DIM, HS), lambda j, i, ns_ref: (0, 0)),
            pl.BlockSpec((HS, DIM), lambda j, i, ns_ref: (0, 0)),
            pl.BlockSpec((DIM, HC), lw_cols),
            pl.BlockSpec((DIM, HC), lw_cols),
            pl.BlockSpec((HC, DIM), lw2_rows),
            pl.BlockSpec((1, HS), lambda j, i, ns_ref: (0, 0)),
            pl.BlockSpec((1, HS), lambda j, i, ns_ref: (0, 0)),
            pl.BlockSpec((1, DIM), lambda j, i, ns_ref: (0, 0)),
            pl.BlockSpec((1, HC), lw_cols),
            pl.BlockSpec((1, HC), lw_cols),
            pl.BlockSpec((1, DIM), lambda j, i, ns_ref: (0, 0)),
        ],
        out_specs=pl.BlockSpec((R, DIM), out_map),
        scratch_shapes=[pltpu.VMEM((tokens, DIM), jnp.float32)],
    )
    return pl.pallas_call(
        _ffn_body,
        grid_spec=grid_spec,
        out_shape=jax.ShapeDtypeStruct((tokens, DIM), jnp.float32),
        compiler_params=pltpu.CompilerParams(
            dimension_semantics=("arbitrary", "arbitrary"),
            vmem_limit_bytes=100 * 1024 * 1024,
        ),
        interpret=interpret,
    )(ns, xp, s_w1, s_w3, s_w2, l_w1, l_w3, l_w2,
      s_b1.reshape(1, HS), s_b3.reshape(1, HS), s_b2.reshape(1, DIM),
      l_b1.reshape(1, HL), l_b3.reshape(1, HL), l_b2.reshape(1, DIM))


_SC_NW = 32
_SC_CH = 64


def _sc_gather_rows(table, idx):
    tokens, d = table.shape
    per_w = tokens // _SC_NW
    nch = per_w // _SC_CH
    mesh = plsc.VectorSubcoreMesh(core_axis_name="c", subcore_axis_name="s")

    @functools.partial(
        pl.kernel, mesh=mesh,
        out_type=jax.ShapeDtypeStruct((tokens, d), table.dtype),
        scratch_types=[
            pltpu.VMEM((_SC_CH,), jnp.int32),
            pltpu.VMEM((_SC_CH, d), table.dtype),
            pltpu.SemaphoreType.DMA,
        ],
    )
    def k(table_hbm, idx_hbm, out_hbm, idx_v, rows_v, sem):
        wid = lax.axis_index("s") * 2 + lax.axis_index("c")
        for c in range(nch):
            base = wid * per_w + c * _SC_CH
            pltpu.sync_copy(idx_hbm.at[pl.ds(base, _SC_CH)], idx_v)
            pltpu.async_copy(table_hbm.at[idx_v], rows_v, sem).wait()
            pltpu.sync_copy(rows_v, out_hbm.at[pl.ds(base, _SC_CH)])

    return k(table, idx)


def _sc_scatter_rows(rows, dest):
    tokens, d = rows.shape
    per_w = tokens // _SC_NW
    nch = per_w // _SC_CH
    mesh = plsc.VectorSubcoreMesh(core_axis_name="c", subcore_axis_name="s")

    @functools.partial(
        pl.kernel, mesh=mesh,
        out_type=jax.ShapeDtypeStruct((tokens, d), rows.dtype),
        scratch_types=[
            pltpu.VMEM((_SC_CH,), jnp.int32),
            pltpu.VMEM((_SC_CH, d), rows.dtype),
            pltpu.SemaphoreType.DMA,
        ],
    )
    def k(rows_hbm, dest_hbm, out_hbm, idx_v, rows_v, sem):
        wid = lax.axis_index("s") * 2 + lax.axis_index("c")
        for c in range(nch):
            base = wid * per_w + c * _SC_CH
            pltpu.sync_copy(dest_hbm.at[pl.ds(base, _SC_CH)], idx_v)
            pltpu.sync_copy(rows_hbm.at[pl.ds(base, _SC_CH)], rows_v)
            pltpu.async_copy(rows_v, out_hbm.at[idx_v], sem).wait()

    return k(rows, dest)


def kernel(x, router_w, router_b, s_w1, s_b1, s_w3, s_b3, s_w2, s_b2,
           l_w1, l_b1, l_w3, l_b3, l_w2, l_b2):
    bsz, seq_len, dim = x.shape
    tokens = bsz * seq_len
    flat = x.reshape(tokens, dim)

    logits = (flat @ router_w + router_b) / max(TEMP, 1e-6)
    large_mask = logits[:, 1] > logits[:, 0]
    capacity = max(1, int(math.ceil(tokens / 2 * CAP_FACTOR)))
    csl = jnp.cumsum(large_mask.astype(jnp.int32))
    cse = jnp.minimum(csl, capacity)
    eff_large = large_mask & (csl <= capacity)
    n_large = cse[-1]
    ns = tokens - n_large

    iota = jnp.arange(tokens, dtype=jnp.int32)
    dest = jnp.where(eff_large, ns + cse - 1, iota - cse)

    xp = _sc_scatter_rows(flat, dest)
    yp = _dual_ffn(ns.reshape(1), xp, s_w1, s_w3, s_w2, l_w1, l_w3, l_w2,
                   s_b1, s_b3, s_b2, l_b1, l_b3, l_b2)
    out = _sc_gather_rows(yp, dest)

    stats = jnp.stack([ns, n_large, jnp.int32(0)])
    return out.reshape(bsz, seq_len, dim), stats

# --- scband reference (transcript-rebuilt; emitter-appended) ---
"""Pipeline reference for scband-dual-ffn-661424963641 (READ-ONLY COPY).

The authoritative reference and input builder live on the scoring server;
editing this copy changes nothing except your own understanding.
"""

import jax, jax.numpy as jnp
import numpy as np
import math

DIM = 1024
HS = 1024
HL = 4096
B = 2
S = 2048
TEMP = 1.0
CAP_FACTOR = 1.0


def swiglu(x, w1, b1, w3, b3, w2, b2):
    return (jax.nn.silu(x @ w1 + b1) * (x @ w3 + b3)) @ w2 + b2


def setup_inputs(seed: int = 0) -> dict:
    key = jax.random.key(seed)
    ks = jax.random.split(key, 16)
    s = 0.02
    return {
        "x": jax.random.normal(ks[0], (B, S, DIM), dtype=jnp.float32),
        "router_w": jax.random.normal(ks[1], (DIM, 2), dtype=jnp.float32) * s,
        "router_b": jnp.zeros((2,), dtype=jnp.float32),
        "s_w1": jax.random.normal(ks[2], (DIM, HS), dtype=jnp.float32) * s,
        "s_b1": jnp.zeros((HS,), dtype=jnp.float32),
        "s_w3": jax.random.normal(ks[3], (DIM, HS), dtype=jnp.float32) * s,
        "s_b3": jnp.zeros((HS,), dtype=jnp.float32),
        "s_w2": jax.random.normal(ks[4], (HS, DIM), dtype=jnp.float32) * s,
        "s_b2": jnp.zeros((DIM,), dtype=jnp.float32),
        "l_w1": jax.random.normal(ks[5], (DIM, HL), dtype=jnp.float32) * s,
        "l_b1": jnp.zeros((HL,), dtype=jnp.float32),
        "l_w3": jax.random.normal(ks[6], (DIM, HL), dtype=jnp.float32) * s,
        "l_b3": jnp.zeros((HL,), dtype=jnp.float32),
        "l_w2": jax.random.normal(ks[7], (HL, DIM), dtype=jnp.float32) * s,
        "l_b2": jnp.zeros((DIM,), dtype=jnp.float32),
    }


def reference(x, router_w, router_b, s_w1, s_b1, s_w3, s_b3, s_w2, s_b2,
              l_w1, l_b1, l_w3, l_b3, l_w2, l_b2):
    bsz, seq_len, dim = x.shape
    tokens = bsz * seq_len
    flat = x.reshape(tokens, dim)
    logits = (flat @ router_w + router_b) / max(TEMP, 1e-6)
    routing = jnp.argmax(logits, axis=-1)
    capacity = max(1, int(math.ceil(tokens / 2 * CAP_FACTOR)))
    large_mask = routing == 1
    # rank of each large-routed token in ascending index order (matches torch.nonzero ordering)
    rank = jnp.cumsum(large_mask.astype(jnp.int32)) - 1
    # large tokens beyond capacity overflow back to the small expert (drop_tokens=False)
    eff_large = large_mask & (rank < capacity)
    small_out = swiglu(flat, s_w1, s_b1, s_w3, s_b3, s_w2, s_b2)
    large_out = swiglu(flat, l_w1, l_b1, l_w3, l_b3, l_w2, l_b2)
    output = jnp.where(eff_large[:, None], large_out, small_out)
    n_large = eff_large.sum().astype(jnp.int32)
    stats = jnp.stack([jnp.int32(tokens) - n_large, n_large, jnp.int32(0)])
    return output.reshape(bsz, seq_len, dim), stats

if __name__ == "__main__":
    import jax
    _d = setup_inputs()
    print(jax.jit(kernel)(*tuple(_d.values())))

</pallas_src>

<mosaic_0001>
#map = affine_map<(d0, d1) -> (0, 0)>
#map1 = affine_map<(d0, d1) -> (0)>
module attributes {stable_mosaic.version = 14 : i64} {
  func.func @k(%arg0: i32, %arg1: i32, %arg2: memref<4096x1024xf32, #tpu.memory_space<hbm>>, %arg3: memref<4096xi32, #tpu.memory_space<hbm>>, %arg4: memref<4096x1024xf32, #tpu.memory_space<hbm>>, %arg5: memref<64xi32, #tpu.memory_space<vmem>>, %arg6: memref<64x1024xf32, #tpu.memory_space<vmem>>, %arg7: memref<!tpu.dma_semaphore, #tpu.memory_space<semaphore_mem>>) attributes {dimension_semantics = [#tpu.dimension_semantics<core_parallel>, #tpu.dimension_semantics<subcore_parallel>], iteration_bounds = array<i64: 2, 16>, scalar_prefetch = 0 : i64, scratch_operands = 3 : i64, tpu.core_type = #tpu.core_type<sc_vector_subcore>, window_params = [{transform_indices = #map}, {transform_indices = #map1}, {transform_indices = #map}]} {
    %mul3A = arith.constant 2 : i32
    %mul3A_0 = arith.muli %arg1, %mul3A : i32
    %add3A = arith.addi %mul3A_0, %arg0 : i32
    %mul3A_1 = arith.constant 128 : i32
    %mul3A_2 = arith.muli %add3A, %mul3A_1 : i32
    %add3A_3 = arith.constant 0 : i32
    %add3A_4 = arith.addi %mul3A_2, %add3A_3 : i32
    "tpu.region"() ({
      %run_scoped3A = tpu.sem_alloc : memref<!tpu.dma_semaphore, #tpu.memory_space<semaphore_mem>>
      %dma_start3A_19 = tpu.memref_slice %arg3[%add3A_4] : memref<4096xi32, #tpu.memory_space<hbm>> -> memref<64xi32, #tpu.memory_space<hbm>>
      %dma_start3A_20 = tpu.memref_slice %arg3[%add3A_4] : memref<4096xi32, #tpu.memory_space<hbm>> -> memref<64xi32, #tpu.memory_space<hbm>>
      tpu.enqueue_dma source(%dma_start3A_20 : memref<64xi32, #tpu.memory_space<hbm>>) target(%arg5 : memref<64xi32, #tpu.memory_space<vmem>>) target_semaphore(%run_scoped3A : memref<!tpu.dma_semaphore, #tpu.memory_space<semaphore_mem>>)
      %dma_wait3A_21 = tpu.memref_slice %arg3[%add3A_4] : memref<4096xi32, #tpu.memory_space<hbm>> -> memref<64xi32, #tpu.memory_space<hbm>>
      %dma_wait3A_22 = tpu.memref_slice %arg3[%add3A_4] : memref<4096xi32, #tpu.memory_space<hbm>> -> memref<64xi32, #tpu.memory_space<hbm>>
      tpu.wait_dma2 semaphore(%run_scoped3A : memref<!tpu.dma_semaphore, #tpu.memory_space<semaphore_mem>>) src(%dma_wait3A_22 : memref<64xi32, #tpu.memory_space<hbm>>) dst(%arg5 : memref<64xi32, #tpu.memory_space<vmem>>)
      tpu.yield
    }) : () -> ()
    "tpu.region"() ({
      %run_scoped3A = tpu.sem_alloc : memref<!tpu.dma_semaphore, #tpu.memory_space<semaphore_mem>>
      %dma_start3A_19 = arith.constant 0 : i32
      %dma_start3A_20 = tpu.memref_slice %arg2[%add3A_4, %dma_start3A_19] : memref<4096x1024xf32, #tpu.memory_space<hbm>> -> memref<64x1024xf32, #tpu.memory_space<hbm>>
      %dma_start3A_21 = arith.constant 0 : i32
      %dma_start3A_22 = tpu.memref_slice %arg2[%add3A_4, %dma_start3A_21] : memref<4096x1024xf32, #tpu.memory_space<hbm>> -> memref<64x1024xf32, #tpu.memory_space<hbm>>
      tpu.enqueue_dma source(%dma_start3A_22 : memref<64x1024xf32, #tpu.memory_space<hbm>>) target(%arg6 : memref<64x1024xf32, #tpu.memory_space<vmem>>) target_semaphore(%run_scoped3A : memref<!tpu.dma_semaphore, #tpu.memory_space<semaphore_mem>>)
      %dma_wait3A_23 = arith.constant 0 : i32
      %dma_wait3A_24 = tpu.memref_slice %arg2[%add3A_4, %dma_wait3A_23] : memref<4096x1024xf32, #tpu.memory_space<hbm>> -> memref<64x1024xf32, #tpu.memory_space<hbm>>
      %dma_wait3A_25 = arith.constant 0 : i32
      %dma_wait3A_26 = tpu.memref_slice %arg2[%add3A_4, %dma_wait3A_25] : memref<4096x1024xf32, #tpu.memory_space<hbm>> -> memref<64x1024xf32, #tpu.memory_space<hbm>>
      tpu.wait_dma2 semaphore(%run_scoped3A : memref<!tpu.dma_semaphore, #tpu.memory_space<semaphore_mem>>) src(%dma_wait3A_26 : memref<64x1024xf32, #tpu.memory_space<hbm>>) dst(%arg6 : memref<64x1024xf32, #tpu.memory_space<vmem>>)
      tpu.yield
    }) : () -> ()
    %dma_start3A = arith.constant 0 : i32
    %dma_start3A_5 = arith.constant 0 : i32
    %dma_start3A_6 = tpu.memref_slice %arg4[%dma_start3A, %dma_start3A_5] : memref<4096x1024xf32, #tpu.memory_space<hbm>> -> memref<4096x1024xf32, #tpu.memory_space<hbm>>
    tpu.enqueue_indirect_dma source(%arg6 : memref<64x1024xf32, #tpu.memory_space<vmem>>) target(%dma_start3A_6 : memref<4096x1024xf32, #tpu.memory_space<hbm>>) offsets(%arg5 : memref<64xi32, #tpu.memory_space<vmem>>) semaphore(%arg7 : memref<!tpu.dma_semaphore, #tpu.memory_space<semaphore_mem>>)
    %dma_wait3A = arith.constant 0 : i32
    %dma_wait3A_7 = arith.constant 0 : i32
    %dma_wait3A_8 = tpu.memref_slice %arg4[%dma_wait3A, %dma_wait3A_7] : memref<4096x1024xf32, #tpu.memory_space<hbm>> -> memref<4096x1024xf32, #tpu.memory_space<hbm>>
    tpu.wait_indirect_dma semaphore(%arg7 : memref<!tpu.dma_semaphore, #tpu.memory_space<semaphore_mem>>) src(%arg6 : memref<64x1024xf32, #tpu.memory_space<vmem>>) dst(%dma_wait3A_8 : memref<4096x1024xf32, #tpu.memory_space<hbm>>)
    %mul3A_9 = arith.constant 128 : i32
    %mul3A_10 = arith.muli %add3A, %mul3A_9 : i32
    %add3A_11 = arith.constant 64 : i32
    %add3A_12 = arith.addi %mul3A_10, %add3A_11 : i32
    "tpu.region"() ({
      %run_scoped3A = tpu.sem_alloc : memref<!tpu.dma_semaphore, #tpu.memory_space<semaphore_mem>>
      %dma_start3A_19 = tpu.memref_slice %arg3[%add3A_12] : memref<4096xi32, #tpu.memory_space<hbm>> -> memref<64xi32, #tpu.memory_space<hbm>>
      %dma_start3A_20 = tpu.memref_slice %arg3[%add3A_12] : memref<4096xi32, #tpu.memory_space<hbm>> -> memref<64xi32, #tpu.memory_space<hbm>>
      tpu.enqueue_dma source(%dma_start3A_20 : memref<64xi32, #tpu.memory_space<hbm>>) target(%arg5 : memref<64xi32, #tpu.memory_space<vmem>>) target_semaphore(%run_scoped3A : memref<!tpu.dma_semaphore, #tpu.memory_space<semaphore_mem>>)
      %dma_wait3A_21 = tpu.memref_slice %arg3[%add3A_12] : memref<4096xi32, #tpu.memory_space<hbm>> -> memref<64xi32, #tpu.memory_space<hbm>>
      %dma_wait3A_22 = tpu.memref_slice %arg3[%add3A_12] : memref<4096xi32, #tpu.memory_space<hbm>> -> memref<64xi32, #tpu.memory_space<hbm>>
      tpu.wait_dma2 semaphore(%run_scoped3A : memref<!tpu.dma_semaphore, #tpu.memory_space<semaphore_mem>>) src(%dma_wait3A_22 : memref<64xi32, #tpu.memory_space<hbm>>) dst(%arg5 : memref<64xi32, #tpu.memory_space<vmem>>)
      tpu.yield
    }) : () -> ()
    "tpu.region"() ({
      %run_scoped3A = tpu.sem_alloc : memref<!tpu.dma_semaphore, #tpu.memory_space<semaphore_mem>>
      %dma_start3A_19 = arith.constant 0 : i32
      %dma_start3A_20 = tpu.memref_slice %arg2[%add3A_12, %dma_start3A_19] : memref<4096x1024xf32, #tpu.memory_space<hbm>> -> memref<64x1024xf32, #tpu.memory_space<hbm>>
      %dma_start3A_21 = arith.constant 0 : i32
      %dma_start3A_22 = tpu.memref_slice %arg2[%add3A_12, %dma_start3A_21] : memref<4096x1024xf32, #tpu.memory_space<hbm>> -> memref<64x1024xf32, #tpu.memory_space<hbm>>
      tpu.enqueue_dma source(%dma_start3A_22 : memref<64x1024xf32, #tpu.memory_space<hbm>>) target(%arg6 : memref<64x1024xf32, #tpu.memory_space<vmem>>) target_semaphore(%run_scoped3A : memref<!tpu.dma_semaphore, #tpu.memory_space<semaphore_mem>>)
      %dma_wait3A_23 = arith.constant 0 : i32
      %dma_wait3A_24 = tpu.memref_slice %arg2[%add3A_12, %dma_wait3A_23] : memref<4096x1024xf32, #tpu.memory_space<hbm>> -> memref<64x1024xf32, #tpu.memory_space<hbm>>
      %dma_wait3A_25 = arith.constant 0 : i32
      %dma_wait3A_26 = tpu.memref_slice %arg2[%add3A_12, %dma_wait3A_25] : memref<4096x1024xf32, #tpu.memory_space<hbm>> -> memref<64x1024xf32, #tpu.memory_space<hbm>>
      tpu.wait_dma2 semaphore(%run_scoped3A : memref<!tpu.dma_semaphore, #tpu.memory_space<semaphore_mem>>) src(%dma_wait3A_26 : memref<64x1024xf32, #tpu.memory_space<hbm>>) dst(%arg6 : memref<64x1024xf32, #tpu.memory_space<vmem>>)
      tpu.yield
    }) : () -> ()
    %dma_start3A_13 = arith.constant 0 : i32
    %dma_start3A_14 = arith.constant 0 : i32
    %dma_start3A_15 = tpu.memref_slice %arg4[%dma_start3A_13, %dma_start3A_14] : memref<4096x1024xf32, #tpu.memory_space<hbm>> -> memref<4096x1024xf32, #tpu.memory_space<hbm>>
    tpu.enqueue_indirect_dma source(%arg6 : memref<64x1024xf32, #tpu.memory_space<vmem>>) target(%dma_start3A_15 : memref<4096x1024xf32, #tpu.memory_space<hbm>>) offsets(%arg5 : memref<64xi32, #tpu.memory_space<vmem>>) semaphore(%arg7 : memref<!tpu.dma_semaphore, #tpu.memory_space<semaphore_mem>>)
    %dma_wait3A_16 = arith.constant 0 : i32
    %dma_wait3A_17 = arith.constant 0 : i32
    %dma_wait3A_18 = tpu.memref_slice %arg4[%dma_wait3A_16, %dma_wait3A_17] : memref<4096x1024xf32, #tpu.memory_space<hbm>> -> memref<4096x1024xf32, #tpu.memory_space<hbm>>
    tpu.wait_indirect_dma semaphore(%arg7 : memref<!tpu.dma_semaphore, #tpu.memory_space<semaphore_mem>>) src(%arg6 : memref<64x1024xf32, #tpu.memory_space<vmem>>) dst(%dma_wait3A_18 : memref<4096x1024xf32, #tpu.memory_space<hbm>>)
    return
  }
}

#map = affine_map<(d0, d1) -> (0, 0)>
#map1 = affine_map<(d0, d1) -> (0)>
module attributes {stable_mosaic.version = 14 : i64} {
  func.func @k(%arg0: i32, %arg1: i32, %arg2: memref<4096x1024xf32, #tpu.memory_space<hbm>>, %arg3: memref<4096xi32, #tpu.memory_space<hbm>>, %arg4: memref<4096x1024xf32, #tpu.memory_space<hbm>>, %arg5: memref<64xi32, #tpu.memory_space<vmem>>, %arg6: memref<64x1024xf32, #tpu.memory_space<vmem>>, %arg7: memref<!tpu.dma_semaphore, #tpu.memory_space<semaphore_mem>>) attributes {dimension_semantics = [#tpu.dimension_semantics<core_parallel>, #tpu.dimension_semantics<subcore_parallel>], iteration_bounds = array<i64: 2, 16>, scalar_prefetch = 0 : i64, scratch_operands = 3 : i64, tpu.core_type = #tpu.core_type<sc_vector_subcore>, window_params = [{transform_indices = #map}, {transform_indices = #map1}, {transform_indices = #map}]} {
    %mul3A = arith.constant 2 : i32
    %mul3A_0 = arith.muli %arg1, %mul3A : i32
    %add3A = arith.addi %mul3A_0, %arg0 : i32
    %mul3A_1 = arith.constant 128 : i32
    %mul3A_2 = arith.muli %add3A, %mul3A_1 : i32
    %add3A_3 = arith.constant 0 : i32
    %add3A_4 = arith.addi %mul3A_2, %add3A_3 : i32
    "tpu.region"() ({
      %run_scoped3A = tpu.sem_alloc : memref<!tpu.dma_semaphore, #tpu.memory_space<semaphore_mem>>
      %dma_start3A_19 = tpu.memref_slice %arg3[%add3A_4] : memref<4096xi32, #tpu.memory_space<hbm>> -> memref<64xi32, #tpu.memory_space<hbm>>
      %dma_start3A_20 = tpu.memref_slice %arg3[%add3A_4] : memref<4096xi32, #tpu.memory_space<hbm>> -> memref<64xi32, #tpu.memory_space<hbm>>
      tpu.enqueue_dma source(%dma_start3A_20 : memref<64xi32, #tpu.memory_space<hbm>>) target(%arg5 : memref<64xi32, #tpu.memory_space<vmem>>) target_semaphore(%run_scoped3A : memref<!tpu.dma_semaphore, #tpu.memory_space<semaphore_mem>>)
      %dma_wait3A_21 = tpu.memref_slice %arg3[%add3A_4] : memref<4096xi32, #tpu.memory_space<hbm>> -> memref<64xi32, #tpu.memory_space<hbm>>
      %dma_wait3A_22 = tpu.memref_slice %arg3[%add3A_4] : memref<4096xi32, #tpu.memory_space<hbm>> -> memref<64xi32, #tpu.memory_space<hbm>>
      tpu.wait_dma2 semaphore(%run_scoped3A : memref<!tpu.dma_semaphore, #tpu.memory_space<semaphore_mem>>) src(%dma_wait3A_22 : memref<64xi32, #tpu.memory_space<hbm>>) dst(%arg5 : memref<64xi32, #tpu.memory_space<vmem>>)
      tpu.yield
    }) : () -> ()
    %dma_start3A = arith.constant 0 : i32
    %dma_start3A_5 = arith.constant 0 : i32
    %dma_start3A_6 = tpu.memref_slice %arg2[%dma_start3A, %dma_start3A_5] : memref<4096x1024xf32, #tpu.memory_space<hbm>> -> memref<4096x1024xf32, #tpu.memory_space<hbm>>
    tpu.enqueue_indirect_dma source(%dma_start3A_6 : memref<4096x1024xf32, #tpu.memory_space<hbm>>) target(%arg6 : memref<64x1024xf32, #tpu.memory_space<vmem>>) offsets(%arg5 : memref<64xi32, #tpu.memory_space<vmem>>) semaphore(%arg7 : memref<!tpu.dma_semaphore, #tpu.memory_space<semaphore_mem>>)
    %dma_wait3A = arith.constant 0 : i32
    %dma_wait3A_7 = arith.constant 0 : i32
    %dma_wait3A_8 = tpu.memref_slice %arg2[%dma_wait3A, %dma_wait3A_7] : memref<4096x1024xf32, #tpu.memory_space<hbm>> -> memref<4096x1024xf32, #tpu.memory_space<hbm>>
    tpu.wait_indirect_dma semaphore(%arg7 : memref<!tpu.dma_semaphore, #tpu.memory_space<semaphore_mem>>) src(%dma_wait3A_8 : memref<4096x1024xf32, #tpu.memory_space<hbm>>) dst(%arg6 : memref<64x1024xf32, #tpu.memory_space<vmem>>)
    "tpu.region"() ({
      %run_scoped3A = tpu.sem_alloc : memref<!tpu.dma_semaphore, #tpu.memory_space<semaphore_mem>>
      %dma_start3A_19 = arith.constant 0 : i32
      %dma_start3A_20 = tpu.memref_slice %arg4[%add3A_4, %dma_start3A_19] : memref<4096x1024xf32, #tpu.memory_space<hbm>> -> memref<64x1024xf32, #tpu.memory_space<hbm>>
      %dma_start3A_21 = arith.constant 0 : i32
      %dma_start3A_22 = tpu.memref_slice %arg4[%add3A_4, %dma_start3A_21] : memref<4096x1024xf32, #tpu.memory_space<hbm>> -> memref<64x1024xf32, #tpu.memory_space<hbm>>
      tpu.enqueue_dma source(%arg6 : memref<64x1024xf32, #tpu.memory_space<vmem>>) target(%dma_start3A_22 : memref<64x1024xf32, #tpu.memory_space<hbm>>) target_semaphore(%run_scoped3A : memref<!tpu.dma_semaphore, #tpu.memory_space<semaphore_mem>>)
      %dma_wait3A_23 = arith.constant 0 : i32
      %dma_wait3A_24 = tpu.memref_slice %arg4[%add3A_4, %dma_wait3A_23] : memref<4096x1024xf32, #tpu.memory_space<hbm>> -> memref<64x1024xf32, #tpu.memory_space<hbm>>
      %dma_wait3A_25 = arith.constant 0 : i32
      %dma_wait3A_26 = tpu.memref_slice %arg4[%add3A_4, %dma_wait3A_25] : memref<4096x1024xf32, #tpu.memory_space<hbm>> -> memref<64x1024xf32, #tpu.memory_space<hbm>>
      tpu.wait_dma2 semaphore(%run_scoped3A : memref<!tpu.dma_semaphore, #tpu.memory_space<semaphore_mem>>) src(%arg6 : memref<64x1024xf32, #tpu.memory_space<vmem>>) dst(%dma_wait3A_26 : memref<64x1024xf32, #tpu.memory_space<hbm>>)
      tpu.yield
    }) : () -> ()
    %mul3A_9 = arith.constant 128 : i32
    %mul3A_10 = arith.muli %add3A, %mul3A_9 : i32
    %add3A_11 = arith.constant 64 : i32
    %add3A_12 = arith.addi %mul3A_10, %add3A_11 : i32
    "tpu.region"() ({
      %run_scoped3A = tpu.sem_alloc : memref<!tpu.dma_semaphore, #tpu.memory_space<semaphore_mem>>
      %dma_start3A_19 = tpu.memref_slice %arg3[%add3A_12] : memref<4096xi32, #tpu.memory_space<hbm>> -> memref<64xi32, #tpu.memory_space<hbm>>
      %dma_start3A_20 = tpu.memref_slice %arg3[%add3A_12] : memref<4096xi32, #tpu.memory_space<hbm>> -> memref<64xi32, #tpu.memory_space<hbm>>
      tpu.enqueue_dma source(%dma_start3A_20 : memref<64xi32, #tpu.memory_space<hbm>>) target(%arg5 : memref<64xi32, #tpu.memory_space<vmem>>) target_semaphore(%run_scoped3A : memref<!tpu.dma_semaphore, #tpu.memory_space<semaphore_mem>>)
      %dma_wait3A_21 = tpu.memref_slice %arg3[%add3A_12] : memref<4096xi32, #tpu.memory_space<hbm>> -> memref<64xi32, #tpu.memory_space<hbm>>
      %dma_wait3A_22 = tpu.memref_slice %arg3[%add3A_12] : memref<4096xi32, #tpu.memory_space<hbm>> -> memref<64xi32, #tpu.memory_space<hbm>>
      tpu.wait_dma2 semaphore(%run_scoped3A : memref<!tpu.dma_semaphore, #tpu.memory_space<semaphore_mem>>) src(%dma_wait3A_22 : memref<64xi32, #tpu.memory_space<hbm>>) dst(%arg5 : memref<64xi32, #tpu.memory_space<vmem>>)
      tpu.yield
    }) : () -> ()
    %dma_start3A_13 = arith.constant 0 : i32
    %dma_start3A_14 = arith.constant 0 : i32
    %dma_start3A_15 = tpu.memref_slice %arg2[%dma_start3A_13, %dma_start3A_14] : memref<4096x1024xf32, #tpu.memory_space<hbm>> -> memref<4096x1024xf32, #tpu.memory_space<hbm>>
    tpu.enqueue_indirect_dma source(%dma_start3A_15 : memref<4096x1024xf32, #tpu.memory_space<hbm>>) target(%arg6 : memref<64x1024xf32, #tpu.memory_space<vmem>>) offsets(%arg5 : memref<64xi32, #tpu.memory_space<vmem>>) semaphore(%arg7 : memref<!tpu.dma_semaphore, #tpu.memory_space<semaphore_mem>>)
    %dma_wait3A_16 = arith.constant 0 : i32
    %dma_wait3A_17 = arith.constant 0 : i32
    %dma_wait3A_18 = tpu.memref_slice %arg2[%dma_wait3A_16, %dma_wait3A_17] : memref<4096x1024xf32, #tpu.memory_space<hbm>> -> memref<4096x1024xf32, #tpu.memory_space<hbm>>
    tpu.wait_indirect_dma semaphore(%arg7 : memref<!tpu.dma_semaphore, #tpu.memory_space<semaphore_mem>>) src(%dma_wait3A_18 : memref<4096x1024xf32, #tpu.memory_space<hbm>>) dst(%arg6 : memref<64x1024xf32, #tpu.memory_space<vmem>>)
    "tpu.region"() ({
      %run_scoped3A = tpu.sem_alloc : memref<!tpu.dma_semaphore, #tpu.memory_space<semaphore_mem>>
      %dma_start3A_19 = arith.constant 0 : i32
      %dma_start3A_20 = tpu.memref_slice %arg4[%add3A_12, %dma_start3A_19] : memref<4096x1024xf32, #tpu.memory_space<hbm>> -> memref<64x1024xf32, #tpu.memory_space<hbm>>
      %dma_start3A_21 = arith.constant 0 : i32
      %dma_start3A_22 = tpu.memref_slice %arg4[%add3A_12, %dma_start3A_21] : memref<4096x1024xf32, #tpu.memory_space<hbm>> -> memref<64x1024xf32, #tpu.memory_space<hbm>>
      tpu.enqueue_dma source(%arg6 : memref<64x1024xf32, #tpu.memory_space<vmem>>) target(%dma_start3A_22 : memref<64x1024xf32, #tpu.memory_space<hbm>>) target_semaphore(%run_scoped3A : memref<!tpu.dma_semaphore, #tpu.memory_space<semaphore_mem>>)
      %dma_wait3A_23 = arith.constant 0 : i32
      %dma_wait3A_24 = tpu.memref_slice %arg4[%add3A_12, %dma_wait3A_23] : memref<4096x1024xf32, #tpu.memory_space<hbm>> -> memref<64x1024xf32, #tpu.memory_space<hbm>>
      %dma_wait3A_25 = arith.constant 0 : i32
      %dma_wait3A_26 = tpu.memref_slice %arg4[%add3A_12, %dma_wait3A_25] : memref<4096x1024xf32, #tpu.memory_space<hbm>> -> memref<64x1024xf32, #tpu.memory_space<hbm>>
      tpu.wait_dma2 semaphore(%run_scoped3A : memref<!tpu.dma_semaphore, #tpu.memory_space<semaphore_mem>>) src(%arg6 : memref<64x1024xf32, #tpu.memory_space<vmem>>) dst(%dma_wait3A_26 : memref<64x1024xf32, #tpu.memory_space<hbm>>)
      tpu.yield
    }) : () -> ()
    return
  }
}

module attributes {stable_mosaic.version = 14 : i64} {
  func.func @_ffn_body(%arg0: i32, %arg1: i32, %arg2: memref<1xi32, #tpu.memory_space<smem>>, %arg3: memref<512x1024xf32, #tpu.memory_space<vmem>>, %arg4: memref<1024x1024xf32, #tpu.memory_space<vmem>>, %arg5: memref<1024x1024xf32, #tpu.memory_space<vmem>>, %arg6: memref<1024x1024xf32, #tpu.memory_space<vmem>>, %arg7: memref<1024x1024xf32, #tpu.memory_space<vmem>>, %arg8: memref<1024x1024xf32, #tpu.memory_space<vmem>>, %arg9: memref<1024x1024xf32, #tpu.memory_space<vmem>>, %arg10: memref<1x1024xf32, #tpu.memory_space<vmem>>, %arg11: memref<1x1024xf32, #tpu.memory_space<vmem>>, %arg12: memref<1x1024xf32, #tpu.memory_space<vmem>>, %arg13: memref<1x1024xf32, #tpu.memory_space<vmem>>, %arg14: memref<1x1024xf32, #tpu.memory_space<vmem>>, %arg15: memref<1x1024xf32, #tpu.memory_space<vmem>>, %arg16: memref<512x1024xf32, #tpu.memory_space<vmem>>, %arg17: memref<4096x1024xf32, #tpu.memory_space<vmem>>) attributes {dimension_semantics = [#tpu.dimension_semantics<arbitrary>, #tpu.dimension_semantics<arbitrary>], iteration_bounds = array<i64: 4, 8>, scalar_prefetch = 1 : i64, scratch_operands = 1 : i64, tpu.core_type = #tpu.core_type<tc>, window_params = [{transform_indices = @transform_0, window_bounds = array<i64: 512, 1024>}, {pipeline_mode = #tpu.pipeline_mode<synchronous>, transform_indices = @transform_1, window_bounds = array<i64: 1024, 1024>}, {pipeline_mode = #tpu.pipeline_mode<synchronous>, transform_indices = @transform_2, window_bounds = array<i64: 1024, 1024>}, {pipeline_mode = #tpu.pipeline_mode<synchronous>, transform_indices = @transform_3, window_bounds = array<i64: 1024, 1024>}, {transform_indices = @transform_4, window_bounds = array<i64: 1024, 1024>}, {transform_indices = @transform_5, window_bounds = array<i64: 1024, 1024>}, {transform_indices = @transform_6, window_bounds = array<i64: 1024, 1024>}, {pipeline_mode = #tpu.pipeline_mode<synchronous>, transform_indices = @transform_7, window_bounds = array<i64: 1, 1024>}, {pipeline_mode = #tpu.pipeline_mode<synchronous>, transform_indices = @transform_8, window_bounds = array<i64: 1, 1024>}, {pipeline_mode = #tpu.pipeline_mode<synchronous>, transform_indices = @transform_9, window_bounds = array<i64: 1, 1024>}, {transform_indices = @transform_10, window_bounds = array<i64: 1, 1024>}, {transform_indices = @transform_11, window_bounds = array<i64: 1, 1024>}, {pipeline_mode = #tpu.pipeline_mode<synchronous>, transform_indices = @transform_12, window_bounds = array<i64: 1, 1024>}, {transform_indices = @transform_13, window_bounds = array<i64: 512, 1024>}]} {
    %get3A = arith.constant 0 : index
    %get3A_0 = memref.load %arg2[%get3A] : memref<1xi32, #tpu.memory_space<smem>>
    %mul3A = arith.constant 512 : i32
    %mul3A_1 = arith.muli %arg1, %mul3A : i32
    %lt3A = arith.cmpi slt, %mul3A_1, %get3A_0 : i32
    %add3A = arith.constant 512 : i32
    %add3A_2 = arith.addi %mul3A_1, %add3A : i32
    %gt3A = arith.cmpi sgt, %add3A_2, %get3A_0 : i32
    %eq3A = arith.constant 0 : i32
    %eq3A_3 = arith.cmpi eq, %arg0, %eq3A : i32
    %and3A = arith.andi %eq3A_3, %lt3A : i1
    %convert_element_type3A = arith.extui %and3A : i1 to i32
    %cond3A = arith.constant 0 : i32
    %cond3A_4 = arith.cmpi ne, %convert_element_type3A, %cond3A : i32
    scf.if %cond3A_4 {
      %get3A_13 = arith.constant 0 : index
      %get3A_14 = arith.constant 0 : index
      %get3A_15 = vector.load %arg3[%get3A_13, %get3A_14] : memref<512x1024xf32, #tpu.memory_space<vmem>>, vector<512x1024xf32>
      %get3A_16 = arith.constant 0 : index
      %get3A_17 = arith.constant 0 : index
      %get3A_18 = vector.load %arg4[%get3A_16, %get3A_17] : memref<1024x1024xf32, #tpu.memory_space<vmem>>, vector<1024x1024xf32>
      %dot_general3A = arith.constant dense<0.000000e+00> : vector<512x1024xf32>
      %dot_general3A_19 = tpu.matmul %get3A_15, %get3A_18, %dot_general3A {dimension_numbers = #tpu.dot_dimension_numbers<[1], [0], [0], [1], [0, 0, 1, 1], [], []>, transpose_lhs_hint = false} : vector<512x1024xf32>, vector<1024x1024xf32>, vector<512x1024xf32> -> vector<512x1024xf32>
      %get3A_20 = arith.constant 0 : index
      %get3A_21 = arith.constant 0 : index
      %get3A_22 = vector.load %arg5[%get3A_20, %get3A_21] : memref<1024x1024xf32, #tpu.memory_space<vmem>>, vector<1024x1024xf32>
      %dot_general3A_23 = arith.constant dense<0.000000e+00> : vector<512x1024xf32>
      %dot_general3A_24 = tpu.matmul %get3A_15, %get3A_22, %dot_general3A_23 {dimension_numbers = #tpu.dot_dimension_numbers<[1], [0], [0], [1], [0, 0, 1, 1], [], []>, transpose_lhs_hint = false} : vector<512x1024xf32>, vector<1024x1024xf32>, vector<512x1024xf32> -> vector<512x1024xf32>
      %get3A_25 = arith.constant 0 : index
      %get3A_26 = arith.constant 0 : index
      %get3A_27 = vector.load %arg10[%get3A_25, %get3A_26] : memref<1x1024xf32, #tpu.memory_space<vmem>>, vector<1x1024xf32>
      %add3A_28 = vector.broadcast %get3A_27 : vector<1x1024xf32> to vector<512x1024xf32>
      %add3A_29 = arith.addf %dot_general3A_19, %add3A_28 : vector<512x1024xf32>
      %get3A_30 = arith.constant 0 : index
      %get3A_31 = arith.constant 0 : index
      %get3A_32 = vector.load %arg11[%get3A_30, %get3A_31] : memref<1x1024xf32, #tpu.memory_space<vmem>>, vector<1x1024xf32>
      %add3A_33 = vector.broadcast %get3A_32 : vector<1x1024xf32> to vector<512x1024xf32>
      %add3A_34 = arith.addf %dot_general3A_24, %add3A_33 : vector<512x1024xf32>
      %logistic3A = arith.negf %add3A_29 : vector<512x1024xf32>
      %logistic3A_35 = math.exp %logistic3A : vector<512x1024xf32>
      %logistic3A_36 = arith.constant 1.000000e+00 : f32
      %logistic3A_37 = vector.broadcast %logistic3A_36 : f32 to vector<512x1024xf32>
      %logistic3A_38 = arith.addf %logistic3A_37, %logistic3A_35 : vector<512x1024xf32>
      %logistic3A_39 = arith.divf %logistic3A_37, %logistic3A_38 : vector<512x1024xf32>
      %mul3A_40 = arith.mulf %add3A_29, %logistic3A_39 : vector<512x1024xf32>
      %mul3A_41 = arith.mulf %mul3A_40, %add3A_34 : vector<512x1024xf32>
      %get3A_42 = arith.constant 0 : index
      %get3A_43 = arith.constant 0 : index
      %get3A_44 = vector.load %arg6[%get3A_42, %get3A_43] : memref<1024x1024xf32, #tpu.memory_space<vmem>>, vector<1024x1024xf32>
      %dot_general3A_45 = arith.constant dense<0.000000e+00> : vector<512x1024xf32>
      %dot_general3A_46 = tpu.matmul %mul3A_41, %get3A_44, %dot_general3A_45 {dimension_numbers = #tpu.dot_dimension_numbers<[1], [0], [0], [1], [0, 0, 1, 1], [], []>, transpose_lhs_hint = false} : vector<512x1024xf32>, vector<1024x1024xf32>, vector<512x1024xf32> -> vector<512x1024xf32>
      %get3A_47 = arith.constant 0 : index
      %get3A_48 = arith.constant 0 : index
      %get3A_49 = vector.load %arg12[%get3A_47, %get3A_48] : memref<1x1024xf32, #tpu.memory_space<vmem>>, vector<1x1024xf32>
      %add3A_50 = vector.broadcast %get3A_49 : vector<1x1024xf32> to vector<512x1024xf32>
      %add3A_51 = arith.addf %dot_general3A_46, %add3A_50 : vector<512x1024xf32>
      %swap3A = arith.index_cast %mul3A_1 : i32 to index
      %swap3A_52 = arith.constant 0 : index
      %swap3A_53 = vector.load %arg17[%swap3A, %swap3A_52] : memref<4096x1024xf32, #tpu.memory_space<vmem>>, vector<512x1024xf32>
      tpu.vector_store %arg17[%swap3A, %swap3A_52], %add3A_51 {strides = array<i32>} : memref<4096x1024xf32, #tpu.memory_space<vmem>>, vector<512x1024xf32>,
    } else {
    }
    %convert_element_type3A_5 = arith.extui %gt3A : i1 to i32
    %cond3A_6 = arith.constant 0 : i32
    %cond3A_7 = arith.cmpi ne, %convert_element_type3A_5, %cond3A_6 : i32
    scf.if %cond3A_7 {
      %get3A_13 = arith.constant 0 : index
      %get3A_14 = arith.constant 0 : index
      %get3A_15 = vector.load %arg3[%get3A_13, %get3A_14] : memref<512x1024xf32, #tpu.memory_space<vmem>>, vector<512x1024xf32>
      %get3A_16 = arith.constant 0 : index
      %get3A_17 = arith.constant 0 : index
      %get3A_18 = vector.load %arg7[%get3A_16, %get3A_17] : memref<1024x1024xf32, #tpu.memory_space<vmem>>, vector<1024x1024xf32>
      %dot_general3A = arith.constant dense<0.000000e+00> : vector<512x1024xf32>
      %dot_general3A_19 = tpu.matmul %get3A_15, %get3A_18, %dot_general3A {dimension_numbers = #tpu.dot_dimension_numbers<[1], [0], [0], [1], [0, 0, 1, 1], [], []>, transpose_lhs_hint = false} : vector<512x1024xf32>, vector<1024x1024xf32>, vector<512x1024xf32> -> vector<512x1024xf32>
      %get3A_20 = arith.constant 0 : index
      %get3A_21 = arith.constant 0 : index
      %get3A_22 = vector.load %arg8[%get3A_20, %get3A_21] : memref<1024x1024xf32, #tpu.memory_space<vmem>>, vector<1024x1024xf32>
      %dot_general3A_23 = arith.constant dense<0.000000e+00> : vector<512x1024xf32>
      %dot_general3A_24 = tpu.matmul %get3A_15, %get3A_22, %dot_general3A_23 {dimension_numbers = #tpu.dot_dimension_numbers<[1], [0], [0], [1], [0, 0, 1, 1], [], []>, transpose_lhs_hint = false} : vector<512x1024xf32>, vector<1024x1024xf32>, vector<512x1024xf32> -> vector<512x1024xf32>
      %get3A_25 = arith.constant 0 : index
      %get3A_26 = arith.constant 0 : index
      %get3A_27 = vector.load %arg13[%get3A_25, %get3A_26] : memref<1x1024xf32, #tpu.memory_space<vmem>>, vector<1x1024xf32>
      %add3A_28 = vector.broadcast %get3A_27 : vector<1x1024xf32> to vector<512x1024xf32>
      %add3A_29 = arith.addf %dot_general3A_19, %add3A_28 : vector<512x1024xf32>
      %get3A_30 = arith.constant 0 : index
      %get3A_31 = arith.constant 0 : index
      %get3A_32 = vector.load %arg14[%get3A_30, %get3A_31] : memref<1x1024xf32, #tpu.memory_space<vmem>>, vector<1x1024xf32>
      %add3A_33 = vector.broadcast %get3A_32 : vector<1x1024xf32> to vector<512x1024xf32>
      %add3A_34 = arith.addf %dot_general3A_24, %add3A_33 : vector<512x1024xf32>
      %logistic3A = arith.negf %add3A_29 : vector<512x1024xf32>
      %logistic3A_35 = math.exp %logistic3A : vector<512x1024xf32>
      %logistic3A_36 = arith.constant 1.000000e+00 : f32
      %logistic3A_37 = vector.broadcast %logistic3A_36 : f32 to vector<512x1024xf32>
      %logistic3A_38 = arith.addf %logistic3A_37, %logistic3A_35 : vector<512x1024xf32>
      %logistic3A_39 = arith.divf %logistic3A_37, %logistic3A_38 : vector<512x1024xf32>
      %mul3A_40 = arith.mulf %add3A_29, %logistic3A_39 : vector<512x1024xf32>
      %mul3A_41 = arith.mulf %mul3A_40, %add3A_34 : vector<512x1024xf32>
      %get3A_42 = arith.constant 0 : index
      %get3A_43 = arith.constant 0 : index
      %get3A_44 = vector.load %arg9[%get3A_42, %get3A_43] : memref<1024x1024xf32, #tpu.memory_space<vmem>>, vector<1024x1024xf32>
      %dot_general3A_45 = arith.constant dense<0.000000e+00> : vector<512x1024xf32>
      %dot_general3A_46 = tpu.matmul %mul3A_41, %get3A_44, %dot_general3A_45 {dimension_numbers = #tpu.dot_dimension_numbers<[1], [0], [0], [1], [0, 0, 1, 1], [], []>, transpose_lhs_hint = false} : vector<512x1024xf32>, vector<1024x1024xf32>, vector<512x1024xf32> -> vector<512x1024xf32>
      %iota3A = tpu.iota {dimensions = array<i32: 0>} : vector<512x1xi32>
      %add3A_47 = vector.broadcast %mul3A_1 : i32 to vector<512x1xi32>
      %add3A_48 = arith.addi %add3A_47, %iota3A : vector<512x1xi32>
      %ge3A = vector.broadcast %get3A_0 : i32 to vector<512x1xi32>
      %ge3A_49 = arith.cmpi sge, %add3A_48, %ge3A : vector<512x1xi32>
      %eq3A_50 = arith.constant 0 : i32
      %eq3A_51 = arith.cmpi eq, %arg0, %eq3A_50 : i32
      %convert_element_type3A_52 = arith.extui %eq3A_51 : i1 to i32
      %cond3A_53 = arith.constant 0 : i32
      %cond3A_54 = arith.cmpi ne, %convert_element_type3A_52, %cond3A_53 : i32
      scf.if %cond3A_54 {
        %convert_element_type3A_60 = arith.extui %lt3A : i1 to i32
        %cond3A_61 = arith.constant 0 : i32
        %cond3A_62 = arith.cmpi ne, %convert_element_type3A_60, %cond3A_61 : i32
        scf.if %cond3A_62 {
          %get3A_67 = arith.constant 0 : index
          %get3A_68 = arith.constant 0 : index
          %get3A_69 = vector.load %arg15[%get3A_67, %get3A_68] : memref<1x1024xf32, #tpu.memory_space<vmem>>, vector<1x1024xf32>
          %add3A_70 = vector.broadcast %get3A_69 : vector<1x1024xf32> to vector<512x1024xf32>
          %add3A_71 = arith.addf %dot_general3A_46, %add3A_70 : vector<512x1024xf32>
          %get3A_72 = arith.index_cast %mul3A_1 : i32 to index
          %get3A_73 = arith.constant 0 : index
          %get3A_74 = vector.load %arg17[%get3A_72, %get3A_73] : memref<4096x1024xf32, #tpu.memory_space<vmem>>, vector<512x1024xf32>
          %broadcast_in_dim3A = vector.shape_cast %ge3A_49 : vector<512x1xi1> to vector<512x1xi1>
          %broadcast_in_dim3A_75 = vector.broadcast %broadcast_in_dim3A : vector<512x1xi1> to vector<512x1024xi1>
          %select_n3A = arith.select %broadcast_in_dim3A_75, %add3A_71, %get3A_74 : vector<512x1024xi1>, vector<512x1024xf32>
          %swap3A = arith.index_cast %mul3A_1 : i32 to index
          %swap3A_76 = arith.constant 0 : index
          %swap3A_77 = vector.load %arg17[%swap3A, %swap3A_76] : memref<4096x1024xf32, #tpu.memory_space<vmem>>, vector<512x1024xf32>
          tpu.vector_store %arg17[%swap3A, %swap3A_76], %select_n3A {strides = array<i32>} : memref<4096x1024xf32, #tpu.memory_space<vmem>>, vector<512x1024xf32>,
        } else {
        }
        %not3A = arith.constant true
        %not3A_63 = arith.xori %lt3A, %not3A : i1
        %convert_element_type3A_64 = arith.extui %not3A_63 : i1 to i32
        %cond3A_65 = arith.constant 0 : i32
        %cond3A_66 = arith.cmpi ne, %convert_element_type3A_64, %cond3A_65 : i32
        scf.if %cond3A_66 {
          %get3A_67 = arith.constant 0 : index
          %get3A_68 = arith.constant 0 : index
          %get3A_69 = vector.load %arg15[%get3A_67, %get3A_68] : memref<1x1024xf32, #tpu.memory_space<vmem>>, vector<1x1024xf32>
          %add3A_70 = vector.broadcast %get3A_69 : vector<1x1024xf32> to vector<512x1024xf32>
          %add3A_71 = arith.addf %dot_general3A_46, %add3A_70 : vector<512x1024xf32>
          %swap3A = arith.index_cast %mul3A_1 : i32 to index
          %swap3A_72 = arith.constant 0 : index
          %swap3A_73 = vector.load %arg17[%swap3A, %swap3A_72] : memref<4096x1024xf32, #tpu.memory_space<vmem>>, vector<512x1024xf32>
          tpu.vector_store %arg17[%swap3A, %swap3A_72], %add3A_71 {strides = array<i32>} : memref<4096x1024xf32, #tpu.memory_space<vmem>>, vector<512x1024xf32>,
        } else {
        }
      } else {
      }
      %gt3A_55 = arith.constant 0 : i32
      %gt3A_56 = arith.cmpi sgt, %arg0, %gt3A_55 : i32
      %convert_element_type3A_57 = arith.extui %gt3A_56 : i1 to i32
      %cond3A_58 = arith.constant 0 : i32
      %cond3A_59 = arith.cmpi ne, %convert_element_type3A_57, %cond3A_58 : i32
      scf.if %cond3A_59 {
        %convert_element_type3A_60 = arith.extui %lt3A : i1 to i32
        %cond3A_61 = arith.constant 0 : i32
        %cond3A_62 = arith.cmpi ne, %convert_element_type3A_60, %cond3A_61 : i32
        scf.if %cond3A_62 {
          %get3A_67 = arith.index_cast %mul3A_1 : i32 to index
          %get3A_68 = arith.constant 0 : index
          %get3A_69 = vector.load %arg17[%get3A_67, %get3A_68] : memref<4096x1024xf32, #tpu.memory_space<vmem>>, vector<512x1024xf32>
          %add3A_70 = arith.addf %get3A_69, %dot_general3A_46 : vector<512x1024xf32>
          %broadcast_in_dim3A = vector.shape_cast %ge3A_49 : vector<512x1xi1> to vector<512x1xi1>
          %broadcast_in_dim3A_71 = vector.broadcast %broadcast_in_dim3A : vector<512x1xi1> to vector<512x1024xi1>
          %select_n3A = arith.select %broadcast_in_dim3A_71, %add3A_70, %get3A_69 : vector<512x1024xi1>, vector<512x1024xf32>
          %swap3A = arith.index_cast %mul3A_1 : i32 to index
          %swap3A_72 = arith.constant 0 : index
          %swap3A_73 = vector.load %arg17[%swap3A, %swap3A_72] : memref<4096x1024xf32, #tpu.memory_space<vmem>>, vector<512x1024xf32>
          tpu.vector_store %arg17[%swap3A, %swap3A_72], %select_n3A {strides = array<i32>} : memref<4096x1024xf32, #tpu.memory_space<vmem>>, vector<512x1024xf32>,
        } else {
        }
        %not3A = arith.constant true
        %not3A_63 = arith.xori %lt3A, %not3A : i1
        %convert_element_type3A_64 = arith.extui %not3A_63 : i1 to i32
        %cond3A_65 = arith.constant 0 : i32
        %cond3A_66 = arith.cmpi ne, %convert_element_type3A_64, %cond3A_65 : i32
        scf.if %cond3A_66 {
          %get3A_67 = arith.index_cast %mul3A_1 : i32 to index
          %get3A_68 = arith.constant 0 : index
          %get3A_69 = vector.load %arg17[%get3A_67, %get3A_68] : memref<4096x1024xf32, #tpu.memory_space<vmem>>, vector<512x1024xf32>
          %add3A_70 = arith.addf %get3A_69, %dot_general3A_46 : vector<512x1024xf32>
          %swap3A = arith.index_cast %mul3A_1 : i32 to index
          %swap3A_71 = arith.constant 0 : index
          %swap3A_72 = vector.load %arg17[%swap3A, %swap3A_71] : memref<4096x1024xf32, #tpu.memory_space<vmem>>, vector<512x1024xf32>
          tpu.vector_store %arg17[%swap3A, %swap3A_71], %add3A_70 {strides = array<i32>} : memref<4096x1024xf32, #tpu.memory_space<vmem>>, vector<512x1024xf32>,
        } else {
        }
      } else {
      }
    } else {
    }
    %eq3A_8 = arith.constant 3 : i32
    %eq3A_9 = arith.cmpi eq, %arg0, %eq3A_8 : i32
    %convert_element_type3A_10 = arith.extui %eq3A_9 : i1 to i32
    %cond3A_11 = arith.constant 0 : i32
    %cond3A_12 = arith.cmpi ne, %convert_element_type3A_10, %cond3A_11 : i32
    scf.if %cond3A_12 {
      %get3A_13 = arith.index_cast %mul3A_1 : i32 to index
      %get3A_14 = arith.constant 0 : index
      %get3A_15 = vector.load %arg17[%get3A_13, %get3A_14] : memref<4096x1024xf32, #tpu.memory_space<vmem>>, vector<512x1024xf32>
      %swap3A = arith.constant 0 : index
      %swap3A_16 = arith.constant 0 : index
      %swap3A_17 = vector.load %arg16[%swap3A, %swap3A_16] : memref<512x1024xf32, #tpu.memory_space<vmem>>, vector<512x1024xf32>
      tpu.vector_store %arg16[%swap3A, %swap3A_16], %get3A_15 {strides = array<i32>} : memref<512x1024xf32, #tpu.memory_space<vmem>>, vector<512x1024xf32>,
    } else {
    }
    return
  }
  func.func @transform_0(%arg0: i32, %arg1: i32, %arg2: memref<1xi32, #tpu.memory_space<smem>>) -> (i32, i32) {
    %eq3A = arith.constant 0 : i32
    %eq3A_0 = arith.cmpi eq, %arg0, %eq3A : i32
    %add3A = arith.constant 1 : i32
    %add3A_1 = arith.addi %arg1, %add3A : i32
    %mul3A = arith.constant 512 : i32
    %mul3A_2 = arith.muli %add3A_1, %mul3A : i32
    %get3A = arith.constant 0 : index
    %get3A_3 = memref.load %arg2[%get3A] : memref<1xi32, #tpu.memory_space<smem>>
    %gt3A = arith.cmpi sgt, %mul3A_2, %get3A_3 : i32
    %or3A = arith.ori %eq3A_0, %gt3A : i1
    %jit3A = arith.constant 0 : i32
    %select_n3A = arith.select %or3A, %arg1, %jit3A : i32
    %c0_i32 = arith.constant 0 : i32
    %c0_i32_4 = arith.constant 0 : i32
    return %select_n3A, %c0_i32 : i32, i32
  }
  func.func @transform_1(%arg0: i32, %arg1: i32, %arg2: memref<1xi32, #tpu.memory_space<smem>>) -> (i32, i32) {
    %c0_i32 = arith.constant 0 : i32
    %c0_i32_0 = arith.constant 0 : i32
    %c0_i32_1 = arith.constant 0 : i32
    return %c0_i32, %c0_i32_0 : i32, i32
  }
  func.func @transform_2(%arg0: i32, %arg1: i32, %arg2: memref<1xi32, #tpu.memory_space<smem>>) -> (i32, i32) {
    %c0_i32 = arith.constant 0 : i32
    %c0_i32_0 = arith.constant 0 : i32
    %c0_i32_1 = arith.constant 0 : i32
    return %c0_i32, %c0_i32_0 : i32, i32
  }
  func.func @transform_3(%arg0: i32, %arg1: i32, %arg2: memref<1xi32, #tpu.memory_space<smem>>) -> (i32, i32) {
    %c0_i32 = arith.constant 0 : i32
    %c0_i32_0 = arith.constant 0 : i32
    %c0_i32_1 = arith.constant 0 : i32
    return %c0_i32, %c0_i32_0 : i32, i32
  }
  func.func @transform_4(%arg0: i32, %arg1: i32, %arg2: memref<1xi32, #tpu.memory_space<smem>>) -> (i32, i32) {
    %get3A = arith.constant 0 : index
    %get3A_0 = memref.load %arg2[%get3A] : memref<1xi32, #tpu.memory_space<smem>>
    %lt3A = arith.constant 4096 : i32
    %lt3A_1 = arith.cmpi slt, %get3A_0, %lt3A : i32
    %jit3A = arith.constant 0 : i32
    %select_n3A = arith.select %lt3A_1, %arg0, %jit3A : i32
    %c0_i32 = arith.constant 0 : i32
    %c0_i32_2 = arith.constant 0 : i32
    return %c0_i32, %select_n3A : i32, i32
  }
  func.func @transform_5(%arg0: i32, %arg1: i32, %arg2: memref<1xi32, #tpu.memory_space<smem>>) -> (i32, i32) {
    %get3A = arith.constant 0 : index
    %get3A_0 = memref.load %arg2[%get3A] : memref<1xi32, #tpu.memory_space<smem>>
    %lt3A = arith.constant 4096 : i32
    %lt3A_1 = arith.cmpi slt, %get3A_0, %lt3A : i32
    %jit3A = arith.constant 0 : i32
    %select_n3A = arith.select %lt3A_1, %arg0, %jit3A : i32
    %c0_i32 = arith.constant 0 : i32
    %c0_i32_2 = arith.constant 0 : i32
    return %c0_i32, %select_n3A : i32, i32
  }
  func.func @transform_6(%arg0: i32, %arg1: i32, %arg2: memref<1xi32, #tpu.memory_space<smem>>) -> (i32, i32) {
    %get3A = arith.constant 0 : index
    %get3A_0 = memref.load %arg2[%get3A] : memref<1xi32, #tpu.memory_space<smem>>
    %lt3A = arith.constant 4096 : i32
    %lt3A_1 = arith.cmpi slt, %get3A_0, %lt3A : i32
    %jit3A = arith.constant 0 : i32
    %select_n3A = arith.select %lt3A_1, %arg0, %jit3A : i32
    %c0_i32 = arith.constant 0 : i32
    %c0_i32_2 = arith.constant 0 : i32
    return %select_n3A, %c0_i32 : i32, i32
  }
  func.func @transform_7(%arg0: i32, %arg1: i32, %arg2: memref<1xi32, #tpu.memory_space<smem>>) -> (i32, i32) {
    %c0_i32 = arith.constant 0 : i32
    %c0_i32_0 = arith.constant 0 : i32
    %c0_i32_1 = arith.constant 0 : i32
    return %c0_i32, %c0_i32_0 : i32, i32
  }
  func.func @transform_8(%arg0: i32, %arg1: i32, %arg2: memref<1xi32, #tpu.memory_space<smem>>) -> (i32, i32) {
    %c0_i32 = arith.constant 0 : i32
    %c0_i32_0 = arith.constant 0 : i32
    %c0_i32_1 = arith.constant 0 : i32
    return %c0_i32, %c0_i32_0 : i32, i32
  }
  func.func @transform_9(%arg0: i32, %arg1: i32, %arg2: memref<1xi32, #tpu.memory_space<smem>>) -> (i32, i32) {
    %c0_i32 = arith.constant 0 : i32
    %c0_i32_0 = arith.constant 0 : i32
    %c0_i32_1 = arith.constant 0 : i32
    return %c0_i32, %c0_i32_0 : i32, i32
  }
  func.func @transform_10(%arg0: i32, %arg1: i32, %arg2: memref<1xi32, #tpu.memory_space<smem>>) -> (i32, i32) {
    %get3A = arith.constant 0 : index
    %get3A_0 = memref.load %arg2[%get3A] : memref<1xi32, #tpu.memory_space<smem>>
    %lt3A = arith.constant 4096 : i32
    %lt3A_1 = arith.cmpi slt, %get3A_0, %lt3A : i32
    %jit3A = arith.constant 0 : i32
    %select_n3A = arith.select %lt3A_1, %arg0, %jit3A : i32
    %c0_i32 = arith.constant 0 : i32
    %c0_i32_2 = arith.constant 0 : i32
    return %c0_i32, %select_n3A : i32, i32
  }
  func.func @transform_11(%arg0: i32, %arg1: i32, %arg2: memref<1xi32, #tpu.memory_space<smem>>) -> (i32, i32) {
    %get3A = arith.constant 0 : index
    %get3A_0 = memref.load %arg2[%get3A] : memref<1xi32, #tpu.memory_space<smem>>
    %lt3A = arith.constant 4096 : i32
    %lt3A_1 = arith.cmpi slt, %get3A_0, %lt3A : i32
    %jit3A = arith.constant 0 : i32
    %select_n3A = arith.select %lt3A_1, %arg0, %jit3A : i32
    %c0_i32 = arith.constant 0 : i32
    %c0_i32_2 = arith.constant 0 : i32
    return %c0_i32, %select_n3A : i32, i32
  }
  func.func @transform_12(%arg0: i32, %arg1: i32, %arg2: memref<1xi32, #tpu.memory_space<smem>>) -> (i32, i32) {
    %c0_i32 = arith.constant 0 : i32
    %c0_i32_0 = arith.constant 0 : i32
    %c0_i32_1 = arith.constant 0 : i32
    return %c0_i32, %c0_i32_0 : i32, i32
  }
  func.func @transform_13(%arg0: i32, %arg1: i32, %arg2: memref<1xi32, #tpu.memory_space<smem>>) -> (i32, i32) {
    %eq3A = arith.constant 3 : i32
    %eq3A_0 = arith.cmpi eq, %arg0, %eq3A : i32
    %jit3A = arith.constant 0 : i32
    %select_n3A = arith.select %eq3A_0, %arg1, %jit3A : i32
    %c0_i32 = arith.constant 0 : i32
    %c0_i32_1 = arith.constant 0 : i32
    return %select_n3A, %c0_i32 : i32, i32
  }
}

</mosaic_0001>

<sc_bundles>
// kernel: kernel.5.cloned.1.call-start
scs
__scs_entry_jumppad:
0x0: {  	(pc) =	sbr.rel $0x88, $3  }
0x1: {  	(tag) =	ssettag $0x0;
	lr =	simm.s32 $0x1  }
0x2: {  	[smem:$0x3F92] =	sst lr;
	_ =	strace $0xD0000000  }
0x3: {  	_ = 	snop  }
0x4: {  	_ = 	snop  }
0x5: {  	_ = 	snop  }
0x6: {  	_ = 	snop  }
0x7: {  	_ = 	snop  }
__scs_overlays_trampoline_lowered:
0x8: {  	[smem:$0x3FA1] =	sst s0  }
0x9: {  	[smem:$0x3FA2] =	sst s1  }
0xa: {  	[smem:$0x3FA3] =	sst s2  }
0xb: {  	[smem:$0x3FA4] =	sst s3  }
0xc: {  	[smem:$0x3FA5] =	sst s4  }
0xd: {  	[smem:$0x3FA6] =	sst s5  }
0xe: {  	[smem:$0x3FA7] =	sst s6  }
0xf: {  	[smem:$0x3FA8] =	sst s7  }
0x10: {  	[smem:$0x3FA9] =	sst s8  }
0x11: {  	[smem:$0x3FAA] =	sst s9;
	s0 =	simm.s32 @!p0 $0x0  }
0x12: {  	s1 =	sld [smem:$0x3F90];
	s0 =	simm.s32 @p0 $0x1  }
0x13: {  	[smem:$0x3FAB] =	sst s0;
	s0 =	simm.s32 @!p1 $0x0  }
0x14: {  	s2 =	sld [smem:$0x3F8F];
	s0 =	simm.s32 @p1 $0x1  }
0x15: {  	[smem:$0x3FAC] =	sst s0;
	s0 =	simm.s32 @!p2 $0x0  }
0x16: {  	s3 =	sld [smem:$0x3FDB];
	s0 =	simm.s32 @p2 $0x1  }
0x17: {  	s4 =	simm.s32 $0x1BF5;
	[smem:$0x3FAE] =	sst s0  }
0x18: {  	s0 =	sld [smem:$0x3F91];
	_ =	swait.ge [sflag:s4], $0x0  }
0x19: {  	s7 =	sld [smem:$0x3F92]  }
0x1a: {  	s8 =	sadd.s32 $0xFFFFE003, lr  }
0x1b: {  	s9 =	sadd.s32 $0xFFFFFEF7, lr;
	s5 =	simm.s32 $0xFFFFFFFF;
	p2 =	slt.u32 s8, $0xFFFFF086  }
0x1c: {  	p1 =	slt.u32 s9, $0xF7A;
	s5 =	simm.s32 @!p2 $0x0  }
0x1d: {  	s5 =	simm.s32 @p1 $0x1;
	p0 =	seq.s32 s7, s2  }
0x1e: {  	s7 =	smul.u32 @!p0 $0xF7A, s2;
	p2 =	seq.s32 @!p0 s5, $0x0  }
0x1f: {  	s9 =	smul.u32 $0xF7A, s1;
	s8 =	simm.s32 @!p0 $0x1BF5;
	p2 =	por !p2, p0  }
0x20: {  	[sflag:s8] =	ssyncset.s32 @!p0 $0xFFFFF086;
	s6 =	sadd.s32 @!p0 s3, s7;
	s7 =	simm.s32 @!p0 $0x108  }
0x21: {  	s3 =	sadd.s32 s3, s9;
	s6 =	sadd.s32 @!p0 $0x88, s6;
	s7 =	simm.s32 @p2 $0x1082  }
0x22: {  	[simem:s7], [sflag:s8] =	dma.local @!p0 [hbm:s6], $0xF7A  }
0x23: {  	s9 =	sor.u32 $0xD0000000, s2;
	s6 =	simm.s32 $0x108;
	_ =	swait.ge @!p0 [sflag:s8], $0x0  }
0x24: {  	s3 =	sadd.s32 $0x88, s3;
	s6 =	simm.s32 @!p1 $0x1082;
	[sflag:s4] =	ssyncset.s32 $0xFFFFF086  }
0x25: {  	[simem:s6], [sflag:s4] =	dma.local [hbm:s3], $0xF7A  }
0x26: {  	[smem:$0x3F92] =	sst s1;
	(tag) =	ssettag s2;
	_ =	strace s9  }
0x27: {  	s1 =	sld [smem:$0x3FA2]  }
0x28: {  	s2 =	sld [smem:$0x3FA3]  }
0x29: {  	s4 =	sld [smem:$0x3FA5]  }
0x2a: {  	p0 =	seq.s32 s5, $0x0;
	s5 =	sld [smem:$0x3FA6]  }
0x2b: {  	s6 =	sld [smem:$0x3FA7]  }
0x2c: {  	s7 =	sld [smem:$0x3FA8]  }
0x2d: {  	s3 =	simm.s32 $0x108;
	s8 =	sld [smem:$0x3FA9]  }
0x2e: {  	s3 =	simm.s32 @!p0 $0x1082;
	s9 =	sld [smem:$0x3FAA]  }
0x2f: {  	lr =	sadd.s32 s0, s3;
	s0 =	sld [smem:$0x3FA1]  }
0x30: {  	s3 =	sld [smem:$0x3FA4]  }
0x31: {  	[smem:$0x3FAD] =	sst s10  }
0x32: {  	s10 =	sld [smem:$0x3FAB];
	_ =	sdelay $0x3  }
0x33: {  	p0 =	seq.s32 s10, $0x1;
	s10 =	sld [smem:$0x3FAD];
	_ =	sdelay $0x3  }
0x34: {  	[smem:$0x3FAD] =	sst s10  }
0x35: {  	s10 =	sld [smem:$0x3FAC];
	_ =	sdelay $0x3  }
0x36: {  	p1 =	seq.s32 s10, $0x1;
	s10 =	sld [smem:$0x3FAD];
	_ =	sdelay $0x3  }
0x37: {  	[smem:$0x3FAD] =	sst s10  }
0x38: {  	s10 =	sld [smem:$0x3FAE]  }
0x39: {  	_ = 	snop;
	(pc) =	sbr.ind lr, $3  }
0x3a: {  	_ = 	snop  }
0x3b: {  	_ = 	snop  }
0x3c: {  	p2 =	seq.s32 s10, $0x1;
	s10 =	sld [smem:$0x3FAD]  }
0x3d: {  	_ =	shalt  }
0x3e: {  	_ =	shalt  }
0x3f: {  	_ =	shalt  }
0x40: {  	_ =	shalt  }
0x41: {  	_ =	shalt  }
0x42: {  	_ =	shalt  }
0x43: {  	_ =	shalt  }
0x44: {  	_ =	shalt  }
0x45: {  	_ =	shalt  }
0x46: {  	_ =	shalt  }
0x47: {  	_ =	shalt  }
0x48: {  	_ =	shalt  }
0x49: {  	_ =	shalt  }
0x4a: {  	_ =	shalt  }
0x4b: {  	_ =	shalt  }
0x4c: {  	_ =	shalt  }
0x4d: {  	_ =	shalt  }
0x4e: {  	_ =	shalt  }
0x4f: {  	_ =	shalt  }
0x50: {  	_ =	shalt  }
0x51: {  	_ =	shalt  }
0x52: {  	_ =	shalt  }
0x53: {  	_ =	shalt  }
0x54: {  	_ =	shalt  }
0x55: {  	_ =	shalt  }
0x56: {  	_ =	shalt  }
0x57: {  	_ =	shalt  }
0x58: {  	_ =	shalt  }
0x59: {  	_ =	shalt  }
0x5a: {  	_ =	shalt  }
0x5b: {  	_ =	shalt  }
0x5c: {  	_ =	shalt  }
0x5d: {  	_ =	shalt  }
0x5e: {  	_ =	shalt  }
0x5f: {  	_ =	shalt  }
0x60: {  	_ =	shalt  }
0x61: {  	_ =	shalt  }
0x62: {  	_ =	shalt  }
0x63: {  	_ =	shalt  }
0x64: {  	_ =	shalt  }
0x65: {  	_ =	shalt  }
0x66: {  	_ =	shalt  }
0x67: {  	_ =	shalt  }
0x68: {  	_ =	shalt  }
0x69: {  	_ =	shalt  }
0x6a: {  	_ =	shalt  }
0x6b: {  	_ =	shalt  }
0x6c: {  	_ =	shalt  }
0x6d: {  	_ =	shalt  }
0x6e: {  	_ =	shalt  }
0x6f: {  	_ =	shalt  }
0x70: {  	_ =	shalt  }
0x71: {  	_ =	shalt  }
0x72: {  	_ =	shalt  }
0x73: {  	_ =	shalt  }
0x74: {  	_ =	shalt  }
0x75: {  	_ =	shalt  }
0x76: {  	_ =	shalt  }
0x77: {  	_ =	shalt  }
0x78: {  	_ =	shalt  }
0x79: {  	_ =	shalt  }
0x7a: {  	_ =	shalt  }
0x7b: {  	_ =	shalt  }
0x7c: {  	_ =	shalt  }
0x7d: {  	_ =	shalt  }
0x7e: {  	_ =	shalt  }
0x7f: {  	_ =	shalt  }
0x80: {  	_ =	shalt  }
0x81: {  	_ =	shalt  }
0x82: {  	_ =	shalt  }
0x83: {  	_ =	shalt  }
0x84: {  	_ =	shalt  }
0x85: {  	_ =	shalt  }
0x86: {  	_ =	shalt  }
0x87: {  	_ =	shalt  }
.Lfunc_end0:
.L_simem_size_0:
called_computation_lowered:
.L_overlay_start_0:
0x88: {  	s2 =	sld [smem:$0x3FD9]  }
0x89: {  	s3 =	sld [smem:$0x3FFE];
	_ =	sdelay $0x1  }
0x8a: {  	s1 =	srdreg.scid  }
0x8b: {  	s0 =	sand.u32 $0x1, s1  }
0x8c: {  	s14 =	sshll.u32 s0, $0xA;
	s2 =	sadd.s32 s3, s2  }
0x8d: {  	s2 =	sadd.s32 s2, s14  }
0x8e: {  	[smem:$0x3FB9] =	sst s2  }
0x8f: {  	_ = 	snop  }
0x90: {  	s2 =	sld [smem:$0x3FD0];
	_ =	sdelay $0x2  }
0x91: {  	s4 =	simm.s32 $0xA;
	s5 =	simm.s32 $0x10;
	s15 =	sld [smem:$0x3FC9]  }
0x92: {  	[smem:s5], [sflag:s4] =	dma.local [hbm:s2], $0x1  }
0x93: {  	_ =	swait.eq [sflag:s4], $0x1  }
0x94: {  	[sflag:s4] =	ssyncset.done $0x0  }
0x95: {  	[sflag:s4] =	ssyncadd.s32 $0xFFFFFFFF  }
0x96: {  	s16 =	sld [smem:$0x10];
	(tm) =	ssettm $0x1  }
0x97: {  	s17 =	sld [smem:$0x3FFB];
	_ =	sdelay $0x3  }
0x98: {  	_ =	strace s17  }
0x99: {  	s4 =	sld [smem:$0x3FFC];
	_ =	sdelay $0x3  }
0x9a: {  	_ =	strace s4  }
0x9b: {  	s4 =	sld [smem:$0x3FFD];
	_ =	sdelay $0x3  }
0x9c: {  	_ =	strace s4  }
0x9d: {  	_ =	strace $0x8FFFFFFF  }
0x9e: {  	s18 =	sld [smem:$0x3FDB];
	_ =	sdelay $0x1  }
0x9f: {  	s19 =	simm.s32 $_scs_section_size  }
0xa0: {  	s6 =	simm.s32 $_size__tile_overlayer_lowered;
	s7 =	simm.s32 $_tile_overlayer_lowered  }
0xa1: {  	s22 =	simm.s32 $0x1BFF;
	s21 =	sshll.u32 s7, $0x1;
	s4 =	sadd.s32 s19, s18  }
0xa2: {  	s8 =	simm.s32 $0x0;
	s20 =	sshll.u32 s6, $0x1;
	s6 =	sadd.s32 s21, s4  }
0xa3: {  	[timem:s8], [sflag:s22] =	dma.local [hbm:s6], s20  }
0xa4: {  	_ =	swait.ge [sflag:s22], s20  }
0xa5: {  	s5 =	ssub.s32 $0x0, s20;
	[sflag:s22] =	ssyncset.done $0x0  }
0xa6: {  	[sflag:s22] =	ssyncadd.s32 s5;
	_ =	sdelay $0x1  }
0xa7: {  	s23 =	simm.s32 $0x1B8B  }
0xa8: {  	_ =	swait.ge [sflag:s23], $0x1  }
0xa9: {  	[sflag:s23] =	ssyncset.done $0x0  }
0xaa: {  	s25 =	simm.s32 $0x1B8E;
	s24 =	sld [smem:$0x3FFE];
	[sflag:s23] =	ssyncadd.s32 $0xFFFFFFFF  }
0xab: {  	s26 =	simm.s32 $execute0_lowered;
	[smem:$0x3FD2] =	sst s25  }
0xac: {  	s6 =	sshll.u32 s26, $0x1;
	_ =	strace $0x80000046;
	[dreg:$0x1] =	wrdreg $0xFFFFFFFF  }
0xad: {  	s28 =	simm.s32 $_size_execute0_lowered;
	s4 =	sadd.s32 s4, s6;
	[dreg:$0x0] =	wrdreg $0x0  }
0xae: {  	s6 =	sshll.u32 s28, $0x1;
	[dreg:$0x2] =	wrdreg s4  }
0xaf: {  	[dreg:$0x3] =	wrdreg s6  }
0xb0: {  	[dreg:$0x4] =	wrdreg $0xC0  }
0xb1: {  	_ =	task [dreg:s8], $0x5FFFF  }
0xb2: {  	[dreg:$0x1] =	wrdreg $0xFFFFFFFF  }
0xb3: {  	[dreg:$0x0] =	wrdreg $0x60  }
0xb4: {  	[dreg:$0x2] =	wrdreg s15  }
0xb5: {  	[dreg:$0x3] =	wrdreg s24  }
0xb6: {  	[dreg:$0x4] =	wrdreg s16  }
0xb7: {  	[dreg:$0x5] =	wrdreg $0x9  }
0xb8: {  	_ =	task.clear_ibuf [dreg:s8], $0x6FFFF;
	_ =	strace $0x90000046  }
0xb9: {  	s29 =	simm.s32 $0x9;
	_ =	strace $0x80000048  }
0xba: {  	_ =	swait.ge [sflag:s29], $0x1  }
0xbb: {  	[sflag:s29] =	ssyncadd.s32 $0xFFFFFFFF  }
0xbc: {  	_ =	strace $0x90000048  }
0xbd: {  	_ =	sfence  }
0xbe: {  	s30 =	sld [smem:$0x0];
	_ =	sdelay $0x2  }
0xbf: {  	s31 =	sshll.u32 s1, $0xD;
	s1 =	sshrl.u32 s1, $0x2  }
0xc0: {  	s3 =	sand.u32 $0x4000, s31;
	s1 =	sadd.s32 s1, s30  }
0xc1: {  	s0 =	sor.u32 s3, s0;
	s1 =	sshll.u32 s1, $0x11  }
0xc2: {  	s0 =	sor.u32 s1, s0  }
0xc3: {  	s0 =	sadd.s32 $0x8F2B, s0  }
0xc4: {  	[sflag:s0] =	ssyncadd.remote.s32 $0x1  }
0xc5: {  	_ =	sfence.sel $0xFFFF  }
0xc6: {  	[dreg:$0x0] =	wrdreg $0xFFFFFFFF;
	(pc) =	sbr.abs _section_cstart, $3  }
0xc7: {  	[dreg:$0x1] =	wrdreg $0xFFFFFFFF  }
0xc8: {  	_ =	task.clear_ibuf [dreg:s8], $0x2FFFF;
	_ =	strace $0x9FFFFFFF  }
0xc9: {  	(tm) =	ssettm $0x7FFFFFFF  }
tec
execute0_lowered:
.L_overlay_start_1:
0x0: {  	(tag) =	ssettag $0x1  }
0x1: {  	s0 =	rddreg [dreg:$0x0]  }
0x2: {  	s1 =	rddreg [dreg:$0x1]  }
0x3: {  	s2 =	rddreg [dreg:$0x2];
	s4 =	srdreg.scid  }
0x4: {  	s3 =	simm.s32 $0x0;
	s5 =	stileid.u32;
	s18 =	simm.s32 $0x1  }
0x5: {  	s28 =	simm.s32 $0x4080;
	s29 =	simm.s32 $0x4880;
	s30 =	simm.s32 $0x5080  }
0x6: {  	s31 =	simm.s32 $0x5880;
	s10 =	simm.s32 $0x7080;
	s11 =	simm.s32 $0x7880  }
0x7: {  	s12 =	simm.s32 $0x8080;
	s13 =	simm.s32 $0x8880;
	s14 =	simm.s32 $0x9080  }
0x8: {  	s15 =	simm.s32 $0x9880;
	s16 =	simm.s32 $0xA080;
	s17 =	simm.s32 $0xA880  }
0x9: {  	s9 =	simm.s32 $0xB080;
	s4 =	sand.u32 $0x1, s4;
	[smem:$0x7FF] =	sst s3  }
0xa: {  	s5 =	sshll.u32 s5, $0x8;
	s1 =	sadd.s32 $0x400, s1;
	s6 =	sshll.u32 s4, $0x7  }
0xb: {  	_ =	strace $0x80000047;
	s4 =	ssub.s32 $0x2, s4;
	s5 =	sor.u32 s6, s5  }
0xc: {  	s20 =	sshrl.u32 s4, $0x1;
	s6 =	sadd.s32 $0x300, s2;
	s7 =	sshrl.u32 s5, $0x3  }
0xd: {  	s8 =	ssub.s32 s4, s20;
	s22 =	sshll.u32 s5, $0x7;
	s24 =	sor.u32 $0x40, s5  }
0xe: {  	s4 =	sadd.s32 $0x100, s2;
	s5 =	sadd.s32 $0x200, s2;
	s20 =	simm.s32 $0x880  }
0xf: {  	s21 =	sadd.s32 s1, s7;
	s23 =	sadd.s32 s0, s22;
	s25 =	sshrl.u32 s24, $0x3  }
0x10: {  	s26 =	sshll.u32 s24, $0x7;
	s7 =	smax.u32 s8, $0x1;
	s8 =	simm.s32 $0x2  }
0x11: {  	s22 =	simm.s32 $0x1880;
	s24 =	simm.s32 $0x2880;
	[dreg:$0x4] =	wrdreg s21  }
0x12: {  	v2 =	vlaneseq.u32;
	[dreg:$0x5] =	wrdreg s23;
	s1 =	sadd.s32 s1, s25;
	s0 =	sadd.s32 s0, s26  }
0x13: {  	vm0 =	vmmov $0xffff;
	v1 =	vshrl.u32 v2, $0x3;
	s21 =	simm.s32 $0x1080;
	s23 =	simm.s32 $0x2080;
	[dreg:$0x6] =	wrdreg s1  }
0x14: {  	v0 =	vand.u32 $0x7, v2;
	v2 =	vor.u32 $0x8, v2;
	v1 =	vmul.u32 $0x8, v1;
	s25 =	simm.s32 $0x3080;
	s26 =	simm.s32 $0x3880;
	[dreg:$0x7] =	wrdreg s0  }
.LBB2_1:
0x15: {  	s19 =	rddreg [dreg:$0x4]  }
0x16: {  	[tilespmem:s3], [sflag:$0x2] =	stream.linear.gather [hbm4b:s19+s3], $0x40, $0x38;
	[tilespmem:$0x10080] =	vst v63  }
0x17: {  	_ =	swait.ge [sflag:s8], $0x40  }
0x18: {  	[sflag:s8] =	ssyncset.done $0x0  }
0x19: {  	s0 =	simm.s32 $0x80;
	s1 =	rddreg [dreg:$0x5];
	[sflag:s8] =	ssyncadd.s32 $0xFFFFFFC0  }
0x1a: {  	[tilespmem:s0], [sflag:$0x2] =	stream.linear.gather [hbm4b:s1+s3], $0x10000, $0x38;
	[tilespmem:$0x10080] =	vst v63  }
0x1b: {  	_ =	swait.ge [sflag:s8], $0x10000  }
0x1c: {  	[sflag:s8] =	ssyncset.done $0x0  }
0x1d: {  	[sflag:s8] =	ssyncadd.s32 $0xFFFF0000  }
0x1e: {  	v3 =	vld [tilespmem:$0x0];
	_ =	sdelay $0x4  }
0x1f: {  	v4 =	vshll.u32 v3, $0x3  }
0x20: {  	v3 =	vand.u32 $0x7, v3;
	v4 =	vand.u32 $0xFFFFFFC0, v4  }
0x21: {  	v3 =	vor.u32 v3, v4  }
0x22: {  	v4 =	vperm.xlane v3, v0;
	_ =	sdelay $0x1  }
0x23: {  	v4 =	vadd.s32 v1, v4;
	_ =	sdelay $0x4  }
0x24: {  	[hbm4b:s2+s3] =	stream.indirect_vreg.scatter [tilespmem:s0], [sflag:$0x1], $0x80, v4, vm0, $0xb8;
	[tilespmem:$0x10080] =	vst v63  }
0x25: {  	v3 =	vperm.xlane v3, v2  }
0x26: {  	[hbm4b:s4+s3] =	stream.indirect_vreg.scatter [tilespmem:s20], [sflag:$0x1], $0x80, v4, vm0, $0xb8;
	[tilespmem:$0x10080] =	vst v63  }
0x27: {  	v3 =	vadd.s32 v1, v3  }
0x28: {  	[hbm4b:s5+s3] =	stream.indirect_vreg.scatter [tilespmem:s21], [sflag:$0x1], $0x80, v4, vm0, $0xb8;
	[tilespmem:$0x10080] =	vst v63  }
0x29: {  	_ = 	snop  }
0x2a: {  	[hbm4b:s6+s3] =	stream.indirect_vreg.scatter [tilespmem:s22], [sflag:$0x1], $0x80, v4, vm0, $0xb8;
	[tilespmem:$0x10080] =	vst v63  }
0x2b: {  	_ = 	snop  }
0x2c: {  	[hbm4b:s2+s3] =	stream.indirect_vreg.scatter [tilespmem:s23], [sflag:$0x1], $0x80, v3, vm0, $0xb8;
	[tilespmem:$0x10080] =	vst v63  }
0x2d: {  	_ = 	snop  }
0x2e: {  	[hbm4b:s4+s3] =	stream.indirect_vreg.scatter [tilespmem:s24], [sflag:$0x1], $0x80, v3, vm0, $0xb8;
	[tilespmem:$0x10080] =	vst v63  }
0x2f: {  	_ = 	snop  }
0x30: {  	[hbm4b:s5+s3] =	stream.indirect_vreg.scatter [tilespmem:s25], [sflag:$0x1], $0x80, v3, vm0, $0xb8;
	[tilespmem:$0x10080] =	vst v63  }
0x31: {  	_ = 	snop  }
0x32: {  	[hbm4b:s6+s3] =	stream.indirect_vreg.scatter [tilespmem:s26], [sflag:$0x1], $0x80, v3, vm0, $0xb8;
	[tilespmem:$0x10080] =	vst v63  }
0x33: {  	v3 =	vld [tilespmem:$0x10];
	_ =	sdelay $0x4  }
0x34: {  	v57 =	vshll.u32 v3, $0x3  }
0x35: {  	v3 =	vand.u32 $0x7, v3;
	v4 =	vand.u32 $0xFFFFFFC0, v57  }
0x36: {  	v3 =	vor.u32 v3, v4  }
0x37: {  	v4 =	vperm.xlane v3, v0;
	_ =	sdelay $0x1  }
0x38: {  	v4 =	vadd.s32 v1, v4;
	_ =	sdelay $0x4  }
0x39: {  	[hbm4b:s2+s3] =	stream.indirect_vreg.scatter [tilespmem:s28], [sflag:$0x1], $0x80, v4, vm0, $0xb8;
	[tilespmem:$0x10080] =	vst v63  }
0x3a: {  	v3 =	vperm.xlane v3, v2  }
0x3b: {  	[hbm4b:s4+s3] =	stream.indirect_vreg.scatter [tilespmem:s29], [sflag:$0x1], $0x80, v4, vm0, $0xb8;
	[tilespmem:$0x10080] =	vst v63  }
0x3c: {  	v3 =	vadd.s32 v1, v3  }
0x3d: {  	[hbm4b:s5+s3] =	stream.indirect_vreg.scatter [tilespmem:s30], [sflag:$0x1], $0x80, v4, vm0, $0xb8;
	[tilespmem:$0x10080] =	vst v63  }
0x3e: {  	_ = 	snop  }
0x3f: {  	[hbm4b:s6+s3] =	stream.indirect_vreg.scatter [tilespmem:s31], [sflag:$0x1], $0x80, v4, vm0, $0xb8;
	[tilespmem:$0x10080] =	vst v63  }
0x40: {  	s1 =	simm.s32 $0x6080  }
0x41: {  	[hbm4b:s2+s3] =	stream.indirect_vreg.scatter [tilespmem:s1], [sflag:$0x1], $0x80, v3, vm0, $0xb8;
	[tilespmem:$0x10080] =	vst v63  }
0x42: {  	s1 =	simm.s32 $0x6880  }
0x43: {  	[hbm4b:s4+s3] =	stream.indirect_vreg.scatter [tilespmem:s1], [sflag:$0x1], $0x80, v3, vm0, $0xb8;
	[tilespmem:$0x10080] =	vst v63  }
0x44: {  	_ = 	snop  }
0x45: {  	[hbm4b:s5+s3] =	stream.indirect_vreg.scatter [tilespmem:s10], [sflag:$0x1], $0x80, v3, vm0, $0xb8;
	[tilespmem:$0x10080] =	vst v63  }
0x46: {  	_ = 	snop  }
0x47: {  	[hbm4b:s6+s3] =	stream.indirect_vreg.scatter [tilespmem:s11], [sflag:$0x1], $0x80, v3, vm0, $0xb8;
	[tilespmem:$0x10080] =	vst v63  }
0x48: {  	v3 =	vld [tilespmem:$0x20];
	_ =	sdelay $0x4  }
0x49: {  	v58 =	vshll.u32 v3, $0x3  }
0x4a: {  	v3 =	vand.u32 $0x7, v3;
	v4 =	vand.u32 $0xFFFFFFC0, v58  }
0x4b: {  	v3 =	vor.u32 v3, v4  }
0x4c: {  	v4 =	vperm.xlane v3, v0;
	_ =	sdelay $0x1  }
0x4d: {  	v4 =	vadd.s32 v1, v4;
	_ =	sdelay $0x4  }
0x4e: {  	[hbm4b:s2+s3] =	stream.indirect_vreg.scatter [tilespmem:s12], [sflag:$0x1], $0x80, v4, vm0, $0xb8;
	[tilespmem:$0x10080] =	vst v63  }
0x4f: {  	v3 =	vperm.xlane v3, v2  }
0x50: {  	[hbm4b:s4+s3] =	stream.indirect_vreg.scatter [tilespmem:s13], [sflag:$0x1], $0x80, v4, vm0, $0xb8;
	[tilespmem:$0x10080] =	vst v63  }
0x51: {  	v3 =	vadd.s32 v1, v3  }
0x52: {  	[hbm4b:s5+s3] =	stream.indirect_vreg.scatter [tilespmem:s14], [sflag:$0x1], $0x80, v4, vm0, $0xb8;
	[tilespmem:$0x10080] =	vst v63  }
0x53: {  	_ = 	snop  }
0x54: {  	[hbm4b:s6+s3] =	stream.indirect_vreg.scatter [tilespmem:s15], [sflag:$0x1], $0x80, v4, vm0, $0xb8;
	[tilespmem:$0x10080] =	vst v63  }
0x55: {  	_ = 	snop  }
0x56: {  	[hbm4b:s2+s3] =	stream.indirect_vreg.scatter [tilespmem:s16], [sflag:$0x1], $0x80, v3, vm0, $0xb8;
	[tilespmem:$0x10080] =	vst v63  }
0x57: {  	_ = 	snop  }
0x58: {  	[hbm4b:s4+s3] =	stream.indirect_vreg.scatter [tilespmem:s17], [sflag:$0x1], $0x80, v3, vm0, $0xb8;
	[tilespmem:$0x10080] =	vst v63  }
0x59: {  	_ = 	snop  }
0x5a: {  	[hbm4b:s5+s3] =	stream.indirect_vreg.scatter [tilespmem:s9], [sflag:$0x1], $0x80, v3, vm0, $0xb8;
	[tilespmem:$0x10080] =	vst v63  }
0x5b: {  	s19 =	simm.s32 $0xB880  }
0x5c: {  	[hbm4b:s6+s3] =	stream.indirect_vreg.scatter [tilespmem:s19], [sflag:$0x1], $0x80, v3, vm0, $0xb8;
	[tilespmem:$0x10080] =	vst v63  }
0x5d: {  	v3 =	vld [tilespmem:$0x30];
	_ =	sdelay $0x4  }
0x5e: {  	v59 =	vshll.u32 v3, $0x3  }
0x5f: {  	v3 =	vand.u32 $0x7, v3;
	v4 =	vand.u32 $0xFFFFFFC0, v59  }
0x60: {  	v3 =	vor.u32 v3, v4  }
0x61: {  	v4 =	vperm.xlane v3, v0;
	_ =	sdelay $0x1  }
0x62: {  	v4 =	vadd.s32 v1, v4;
	_ =	sdelay $0x3  }
0x63: {  	s19 =	simm.s32 $0xC080  }
0x64: {  	[hbm4b:s2+s3] =	stream.indirect_vreg.scatter [tilespmem:s19], [sflag:$0x1], $0x80, v4, vm0, $0xb8;
	[tilespmem:$0x10080] =	vst v63  }
0x65: {  	v3 =	vperm.xlane v3, v2;
	s19 =	simm.s32 $0xC880  }
0x66: {  	[hbm4b:s4+s3] =	stream.indirect_vreg.scatter [tilespmem:s19], [sflag:$0x1], $0x80, v4, vm0, $0xb8;
	[tilespmem:$0x10080] =	vst v63  }
0x67: {  	v3 =	vadd.s32 v1, v3;
	s19 =	simm.s32 $0xD080  }
0x68: {  	[hbm4b:s5+s3] =	stream.indirect_vreg.scatter [tilespmem:s19], [sflag:$0x1], $0x80, v4, vm0, $0xb8;
	[tilespmem:$0x10080] =	vst v63  }
0x69: {  	s19 =	simm.s32 $0xD880  }
0x6a: {  	[hbm4b:s6+s3] =	stream.indirect_vreg.scatter [tilespmem:s19], [sflag:$0x1], $0x80, v4, vm0, $0xb8;
	[tilespmem:$0x10080] =	vst v63  }
0x6b: {  	s19 =	simm.s32 $0xE080  }
0x6c: {  	[hbm4b:s2+s3] =	stream.indirect_vreg.scatter [tilespmem:s19], [sflag:$0x1], $0x80, v3, vm0, $0xb8;
	[tilespmem:$0x10080] =	vst v63  }
0x6d: {  	s19 =	simm.s32 $0xE880  }
0x6e: {  	[hbm4b:s4+s3] =	stream.indirect_vreg.scatter [tilespmem:s19], [sflag:$0x1], $0x80, v3, vm0, $0xb8;
	[tilespmem:$0x10080] =	vst v63  }
0x6f: {  	s19 =	simm.s32 $0xF080  }
0x70: {  	[hbm4b:s5+s3] =	stream.indirect_vreg.scatter [tilespmem:s19], [sflag:$0x1], $0x80, v3, vm0, $0xb8;
	[tilespmem:$0x10080] =	vst v63  }
0x71: {  	s19 =	simm.s32 $0xF880  }
0x72: {  	[hbm4b:s6+s3] =	stream.indirect_vreg.scatter [tilespmem:s19], [sflag:$0x1], $0x80, v3, vm0, $0xb8;
	[tilespmem:$0x10080] =	vst v63  }
0x73: {  	_ =	swait.ge [sflag:s18], $0x10000  }
0x74: {  	[sflag:s18] =	ssyncset.done $0x0  }
0x75: {  	s19 =	rddreg [dreg:$0x6];
	[sflag:s18] =	ssyncadd.s32 $0xFFFF0000  }
0x76: {  	[tilespmem:s3], [sflag:$0x2] =	stream.linear.gather [hbm4b:s19+s3], $0x40, $0x38;
	[tilespmem:$0x10080] =	vst v63  }
0x77: {  	_ =	swait.ge [sflag:s8], $0x40  }
0x78: {  	[sflag:s8] =	ssyncset.done $0x0  }
0x79: {  	s19 =	rddreg [dreg:$0x7];
	[sflag:s8] =	ssyncadd.s32 $0xFFFFFFC0  }
0x7a: {  	[tilespmem:s0], [sflag:$0x2] =	stream.linear.gather [hbm4b:s19+s3], $0x10000, $0x38;
	[tilespmem:$0x10080] =	vst v63  }
0x7b: {  	_ =	swait.ge [sflag:s8], $0x10000  }
0x7c: {  	[sflag:s8] =	ssyncset.done $0x0  }
0x7d: {  	[sflag:s8] =	ssyncadd.s32 $0xFFFF0000  }
0x7e: {  	v3 =	vld [tilespmem:$0x0];
	_ =	sdelay $0x4  }
0x7f: {  	v60 =	vshll.u32 v3, $0x3  }
0x80: {  	v3 =	vand.u32 $0x7, v3;
	v4 =	vand.u32 $0xFFFFFFC0, v60  }
0x81: {  	v3 =	vor.u32 v3, v4  }
0x82: {  	v4 =	vperm.xlane v3, v0;
	_ =	sdelay $0x1  }
0x83: {  	v4 =	vadd.s32 v1, v4;
	_ =	sdelay $0x4  }
0x84: {  	[hbm4b:s2+s3] =	stream.indirect_vreg.scatter [tilespmem:s0], [sflag:$0x1], $0x80, v4, vm0, $0xb8;
	[tilespmem:$0x10080] =	vst v63  }
0x85: {  	v3 =	vperm.xlane v3, v2  }
0x86: {  	[hbm4b:s4+s3] =	stream.indirect_vreg.scatter [tilespmem:s20], [sflag:$0x1], $0x80, v4, vm0, $0xb8;
	[tilespmem:$0x10080] =	vst v63  }
0x87: {  	v3 =	vadd.s32 v1, v3  }
0x88: {  	[hbm4b:s5+s3] =	stream.indirect_vreg.scatter [tilespmem:s21], [sflag:$0x1], $0x80, v4, vm0, $0xb8;
	[tilespmem:$0x10080] =	vst v63  }
0x89: {  	_ = 	snop  }
0x8a: {  	[hbm4b:s6+s3] =	stream.indirect_vreg.scatter [tilespmem:s22], [sflag:$0x1], $0x80, v4, vm0, $0xb8;
	[tilespmem:$0x10080] =	vst v63  }
0x8b: {  	_ = 	snop  }
0x8c: {  	[hbm4b:s2+s3] =	stream.indirect_vreg.scatter [tilespmem:s23], [sflag:$0x1], $0x80, v3, vm0, $0xb8;
	[tilespmem:$0x10080] =	vst v63  }
0x8d: {  	_ = 	snop  }
0x8e: {  	[hbm4b:s4+s3] =	stream.indirect_vreg.scatter [tilespmem:s24], [sflag:$0x1], $0x80, v3, vm0, $0xb8;
	[tilespmem:$0x10080] =	vst v63  }
0x8f: {  	_ = 	snop  }
0x90: {  	[hbm4b:s5+s3] =	stream.indirect_vreg.scatter [tilespmem:s25], [sflag:$0x1], $0x80, v3, vm0, $0xb8;
	[tilespmem:$0x10080] =	vst v63  }
0x91: {  	_ = 	snop  }
0x92: {  	[hbm4b:s6+s3] =	stream.indirect_vreg.scatter [tilespmem:s26], [sflag:$0x1], $0x80, v3, vm0, $0xb8;
	[tilespmem:$0x10080] =	vst v63  }
0x93: {  	v3 =	vld [tilespmem:$0x10];
	_ =	sdelay $0x4  }
0x94: {  	v61 =	vshll.u32 v3, $0x3  }
0x95: {  	v3 =	vand.u32 $0x7, v3;
	v4 =	vand.u32 $0xFFFFFFC0, v61  }
0x96: {  	v3 =	vor.u32 v3, v4  }
0x97: {  	v4 =	vperm.xlane v3, v0;
	_ =	sdelay $0x1  }
0x98: {  	v4 =	vadd.s32 v1, v4;
	_ =	sdelay $0x4  }
0x99: {  	[hbm4b:s2+s3] =	stream.indirect_vreg.scatter [tilespmem:s28], [sflag:$0x1], $0x80, v4, vm0, $0xb8;
	[tilespmem:$0x10080] =	vst v63  }
0x9a: {  	v3 =	vperm.xlane v3, v2  }
0x9b: {  	[hbm4b:s4+s3] =	stream.indirect_vreg.scatter [tilespmem:s29], [sflag:$0x1], $0x80, v4, vm0, $0xb8;
	[tilespmem:$0x10080] =	vst v63  }
0x9c: {  	v3 =	vadd.s32 v1, v3  }
0x9d: {  	[hbm4b:s5+s3] =	stream.indirect_vreg.scatter [tilespmem:s30], [sflag:$0x1], $0x80, v4, vm0, $0xb8;
	[tilespmem:$0x10080] =	vst v63  }
0x9e: {  	_ = 	snop  }
0x9f: {  	[hbm4b:s6+s3] =	stream.indirect_vreg.scatter [tilespmem:s31], [sflag:$0x1], $0x80, v4, vm0, $0xb8;
	[tilespmem:$0x10080] =	vst v63  }
0xa0: {  	s19 =	simm.s32 $0x6080  }
0xa1: {  	[hbm4b:s2+s3] =	stream.indirect_vreg.scatter [tilespmem:s19], [sflag:$0x1], $0x80, v3, vm0, $0xb8;
	[tilespmem:$0x10080] =	vst v63  }
0xa2: {  	_ = 	snop  }
0xa3: {  	[hbm4b:s4+s3] =	stream.indirect_vreg.scatter [tilespmem:s1], [sflag:$0x1], $0x80, v3, vm0, $0xb8;
	[tilespmem:$0x10080] =	vst v63  }
0xa4: {  	_ = 	snop  }
0xa5: {  	[hbm4b:s5+s3] =	stream.indirect_vreg.scatter [tilespmem:s10], [sflag:$0x1], $0x80, v3, vm0, $0xb8;
	[tilespmem:$0x10080] =	vst v63  }
0xa6: {  	_ = 	snop  }
0xa7: {  	[hbm4b:s6+s3] =	stream.indirect_vreg.scatter [tilespmem:s11], [sflag:$0x1], $0x80, v3, vm0, $0xb8;
	[tilespmem:$0x10080] =	vst v63  }
0xa8: {  	v3 =	vld [tilespmem:$0x20];
	_ =	sdelay $0x4  }
0xa9: {  	v62 =	vshll.u32 v3, $0x3  }
0xaa: {  	v3 =	vand.u32 $0x7, v3;
	v4 =	vand.u32 $0xFFFFFFC0, v62  }
0xab: {  	v3 =	vor.u32 v3, v4  }
0xac: {  	v4 =	vperm.xlane v3, v0;
	_ =	sdelay $0x1  }
0xad: {  	v4 =	vadd.s32 v1, v4;
	_ =	sdelay $0x4  }
0xae: {  	[hbm4b:s2+s3] =	stream.indirect_vreg.scatter [tilespmem:s12], [sflag:$0x1], $0x80, v4, vm0, $0xb8;
	[tilespmem:$0x10080] =	vst v63  }
0xaf: {  	v3 =	vperm.xlane v3, v2  }
0xb0: {  	[hbm4b:s4+s3] =	stream.indirect_vreg.scatter [tilespmem:s13], [sflag:$0x1], $0x80, v4, vm0, $0xb8;
	[tilespmem:$0x10080] =	vst v63  }
0xb1: {  	v3 =	vadd.s32 v1, v3  }
0xb2: {  	[hbm4b:s5+s3] =	stream.indirect_vreg.scatter [tilespmem:s14], [sflag:$0x1], $0x80, v4, vm0, $0xb8;
	[tilespmem:$0x10080] =	vst v63  }
0xb3: {  	_ = 	snop  }
0xb4: {  	[hbm4b:s6+s3] =	stream.indirect_vreg.scatter [tilespmem:s15], [sflag:$0x1], $0x80, v4, vm0, $0xb8;
	[tilespmem:$0x10080] =	vst v63  }
0xb5: {  	_ = 	snop  }
0xb6: {  	[hbm4b:s2+s3] =	stream.indirect_vreg.scatter [tilespmem:s16], [sflag:$0x1], $0x80, v3, vm0, $0xb8;
	[tilespmem:$0x10080] =	vst v63  }
0xb7: {  	_ = 	snop  }
0xb8: {  	[hbm4b:s4+s3] =	stream.indirect_vreg.scatter [tilespmem:s17], [sflag:$0x1], $0x80, v3, vm0, $0xb8;
	[tilespmem:$0x10080] =	vst v63  }
0xb9: {  	_ = 	snop  }
0xba: {  	[hbm4b:s5+s3] =	stream.indirect_vreg.scatter [tilespmem:s9], [sflag:$0x1], $0x80, v3, vm0, $0xb8;
	[tilespmem:$0x10080] =	vst v63  }
0xbb: {  	s19 =	simm.s32 $0xB880  }
0xbc: {  	[hbm4b:s6+s3] =	stream.indirect_vreg.scatter [tilespmem:s19], [sflag:$0x1], $0x80, v3, vm0, $0xb8;
	[tilespmem:$0x10080] =	vst v63  }
0xbd: {  	v3 =	vld [tilespmem:$0x30];
	_ =	sdelay $0x4  }
0xbe: {  	v63 =	vshll.u32 v3, $0x3  }
0xbf: {  	v3 =	vand.u32 $0x7, v3;
	v4 =	vand.u32 $0xFFFFFFC0, v63  }
0xc0: {  	v3 =	vor.u32 v3, v4  }
0xc1: {  	v4 =	vperm.xlane v3, v0;
	_ =	sdelay $0x1  }
0xc2: {  	v4 =	vadd.s32 v1, v4;
	_ =	sdelay $0x3  }
0xc3: {  	s1 =	simm.s32 $0xC080  }
0xc4: {  	[hbm4b:s2+s3] =	stream.indirect_vreg.scatter [tilespmem:s1], [sflag:$0x1], $0x80, v4, vm0, $0xb8;
	[tilespmem:$0x10080] =	vst v63  }
0xc5: {  	s19 =	simm.s32 $0xC880;
	v3 =	vperm.xlane v3, v2  }
0xc6: {  	[hbm4b:s4+s3] =	stream.indirect_vreg.scatter [tilespmem:s19], [sflag:$0x1], $0x80, v4, vm0, $0xb8;
	[tilespmem:$0x10080] =	vst v63  }
0xc7: {  	v3 =	vadd.s32 v1, v3;
	s1 =	simm.s32 $0xD080  }
0xc8: {  	[hbm4b:s5+s3] =	stream.indirect_vreg.scatter [tilespmem:s1], [sflag:$0x1], $0x80, v4, vm0, $0xb8;
	[tilespmem:$0x10080] =	vst v63  }
0xc9: {  	s19 =	simm.s32 $0xD880  }
0xca: {  	[hbm4b:s6+s3] =	stream.indirect_vreg.scatter [tilespmem:s19], [sflag:$0x1], $0x80, v4, vm0, $0xb8;
	[tilespmem:$0x10080] =	vst v63  }
0xcb: {  	s1 =	simm.s32 $0xE080  }
0xcc: {  	[hbm4b:s2+s3] =	stream.indirect_vreg.scatter [tilespmem:s1], [sflag:$0x1], $0x80, v3, vm0, $0xb8;
	[tilespmem:$0x10080] =	vst v63  }
0xcd: {  	s19 =	simm.s32 $0xE880  }
0xce: {  	[hbm4b:s4+s3] =	stream.indirect_vreg.scatter [tilespmem:s19], [sflag:$0x1], $0x80, v3, vm0, $0xb8;
	[tilespmem:$0x10080] =	vst v63  }
0xcf: {  	p0 =	sne.s32 s7, $0x1;
	s1 =	simm.s32 $0xF080  }
0xd0: {  	[hbm4b:s5+s3] =	stream.indirect_vreg.scatter [tilespmem:s1], [sflag:$0x1], $0x80, v3, vm0, $0xb8;
	[tilespmem:$0x10080] =	vst v63  }
.Ltmp0:
0xd1: {  	s19 =	simm.s32 $0xF880;
	(pc) =	sbr.rel @p0 .LBB2_1-.Ltmp0, $4  }
0xd2: {  	[hbm4b:s6+s3] =	stream.indirect_vreg.scatter [tilespmem:s19], [sflag:$0x1], $0x80, v3, vm0, $0xb8;
	[tilespmem:$0x10080] =	vst v63  }
0xd3: {  	_ =	swait.ge [sflag:s18], $0x10000  }
0xd4: {  	[sflag:s18] =	ssyncset.done $0x0  }
0xd5: {  	s7 =	sadd.s32 $0xFFFFFFFF, s7;
	[sflag:s18] =	ssyncadd.s32 $0xFFFF0000  }
0xd6: {  	_ =	sfence.sel $0x180000  }
0xd7: {  	[bflag:$0x0] =	sbarrier.arrive $0xFFFF  }
0xd8: {  	_ =	strace $0x90000047  }
0xd9: {  	s0 =	stileid.u32;
	[bflag:$0x2] =	sbarrier.arrive $0xFFFF  }
0xda: {  	p0 =	sne.s32 s0, $0x0;
	s0 =	rddreg [dreg:$0x3]  }
0xdb: {  	s0 =	sadd.s32 @!p0 $0x100000, s0  }
0xdc: {  	[sflag:s0] =	ssyncadd.tile.s32 @!p0 $0x1;
	_ =	shalt  }
.Lfunc_end2:
_tile_overlayer_lowered:
.L_overlay_start_2:
0xdd: {  	(tag) =	ssettag $0x2  }
0xde: {  	s0 =	rddreg [dreg:$0x0];
	s2 =	stileid.u32  }
0xdf: {  	s1 =	rddreg [dreg:$0x1];
	p0 =	sne.s32 s2, $0x0  }
0xe0: {  	s3 =	rddreg [dreg:$0x2];
	[bflag:$0x3] =	sbarrier.arrive $0xFFFF;
	s2 =	simm.s32 @!p0 $0x1C02  }
0xe1: {  	[timem:s3], [sflag:s2] =	dma.local @!p0 [hbm:s0], s1  }
0xe2: {  	s0 =	simm.s32 @!p0 $0x2  }
0xe3: {  	_ =	swait.ge @!p0 [sflag:s0], s1  }
0xe4: {  	s1 =	ssub.s32 @!p0 $0x0, s1;
	[sflag:s0] =	ssyncset.done @!p0 $0x0  }
0xe5: {  	[sflag:s0] =	ssyncadd.s32 @!p0 s1  }
0xe6: {  	[bflag:$0x3] =	sbarrier.arrive $0xFFFF  }
0xe7: {  	_ =	shalt  }

// kernel: kernel.8.cloned.1.call-start
scs
__scs_entry_jumppad:
0x0: {  	(pc) =	sbr.rel $0x88, $3  }
0x1: {  	(tag) =	ssettag $0x0;
	lr =	simm.s32 $0x1  }
0x2: {  	[smem:$0x3F92] =	sst lr;
	_ =	strace $0xD0000000  }
0x3: {  	_ = 	snop  }
0x4: {  	_ = 	snop  }
0x5: {  	_ = 	snop  }
0x6: {  	_ = 	snop  }
0x7: {  	_ = 	snop  }
__scs_overlays_trampoline_lowered:
0x8: {  	[smem:$0x3FA1] =	sst s0  }
0x9: {  	[smem:$0x3FA2] =	sst s1  }
0xa: {  	[smem:$0x3FA3] =	sst s2  }
0xb: {  	[smem:$0x3FA4] =	sst s3  }
0xc: {  	[smem:$0x3FA5] =	sst s4  }
0xd: {  	[smem:$0x3FA6] =	sst s5  }
0xe: {  	[smem:$0x3FA7] =	sst s6  }
0xf: {  	[smem:$0x3FA8] =	sst s7  }
0x10: {  	[smem:$0x3FA9] =	sst s8  }
0x11: {  	[smem:$0x3FAA] =	sst s9;
	s0 =	simm.s32 @!p0 $0x0  }
0x12: {  	s1 =	sld [smem:$0x3F90];
	s0 =	simm.s32 @p0 $0x1  }
0x13: {  	[smem:$0x3FAB] =	sst s0;
	s0 =	simm.s32 @!p1 $0x0  }
0x14: {  	s2 =	sld [smem:$0x3F8F];
	s0 =	simm.s32 @p1 $0x1  }
0x15: {  	[smem:$0x3FAC] =	sst s0;
	s0 =	simm.s32 @!p2 $0x0  }
0x16: {  	s3 =	sld [smem:$0x3FDB];
	s0 =	simm.s32 @p2 $0x1  }
0x17: {  	s4 =	simm.s32 $0x1BF5;
	[smem:$0x3FAE] =	sst s0  }
0x18: {  	s0 =	sld [smem:$0x3F91];
	_ =	swait.ge [sflag:s4], $0x0  }
0x19: {  	s7 =	sld [smem:$0x3F92]  }
0x1a: {  	s8 =	sadd.s32 $0xFFFFE003, lr  }
0x1b: {  	s9 =	sadd.s32 $0xFFFFFEF7, lr;
	s5 =	simm.s32 $0xFFFFFFFF;
	p2 =	slt.u32 s8, $0xFFFFF086  }
0x1c: {  	p1 =	slt.u32 s9, $0xF7A;
	s5 =	simm.s32 @!p2 $0x0  }
0x1d: {  	s5 =	simm.s32 @p1 $0x1;
	p0 =	seq.s32 s7, s2  }
0x1e: {  	s7 =	smul.u32 @!p0 $0xF7A, s2;
	p2 =	seq.s32 @!p0 s5, $0x0  }
0x1f: {  	s9 =	smul.u32 $0xF7A, s1;
	s8 =	simm.s32 @!p0 $0x1BF5;
	p2 =	por !p2, p0  }
0x20: {  	[sflag:s8] =	ssyncset.s32 @!p0 $0xFFFFF086;
	s6 =	sadd.s32 @!p0 s3, s7;
	s7 =	simm.s32 @!p0 $0x108  }
0x21: {  	s3 =	sadd.s32 s3, s9;
	s6 =	sadd.s32 @!p0 $0x88, s6;
	s7 =	simm.s32 @p2 $0x1082  }
0x22: {  	[simem:s7], [sflag:s8] =	dma.local @!p0 [hbm:s6], $0xF7A  }
0x23: {  	s9 =	sor.u32 $0xD0000000, s2;
	s6 =	simm.s32 $0x108;
	_ =	swait.ge @!p0 [sflag:s8], $0x0  }
0x24: {  	s3 =	sadd.s32 $0x88, s3;
	s6 =	simm.s32 @!p1 $0x1082;
	[sflag:s4] =	ssyncset.s32 $0xFFFFF086  }
0x25: {  	[simem:s6], [sflag:s4] =	dma.local [hbm:s3], $0xF7A  }
0x26: {  	[smem:$0x3F92] =	sst s1;
	(tag) =	ssettag s2;
	_ =	strace s9  }
0x27: {  	s1 =	sld [smem:$0x3FA2]  }
0x28: {  	s2 =	sld [smem:$0x3FA3]  }
0x29: {  	s4 =	sld [smem:$0x3FA5]  }
0x2a: {  	p0 =	seq.s32 s5, $0x0;
	s5 =	sld [smem:$0x3FA6]  }
0x2b: {  	s6 =	sld [smem:$0x3FA7]  }
0x2c: {  	s7 =	sld [smem:$0x3FA8]  }
0x2d: {  	s3 =	simm.s32 $0x108;
	s8 =	sld [smem:$0x3FA9]  }
0x2e: {  	s3 =	simm.s32 @!p0 $0x1082;
	s9 =	sld [smem:$0x3FAA]  }
0x2f: {  	lr =	sadd.s32 s0, s3;
	s0 =	sld [smem:$0x3FA1]  }
0x30: {  	s3 =	sld [smem:$0x3FA4]  }
0x31: {  	[smem:$0x3FAD] =	sst s10  }
0x32: {  	s10 =	sld [smem:$0x3FAB];
	_ =	sdelay $0x3  }
0x33: {  	p0 =	seq.s32 s10, $0x1;
	s10 =	sld [smem:$0x3FAD];
	_ =	sdelay $0x3  }
0x34: {  	[smem:$0x3FAD] =	sst s10  }
0x35: {  	s10 =	sld [smem:$0x3FAC];
	_ =	sdelay $0x3  }
0x36: {  	p1 =	seq.s32 s10, $0x1;
	s10 =	sld [smem:$0x3FAD];
	_ =	sdelay $0x3  }
0x37: {  	[smem:$0x3FAD] =	sst s10  }
0x38: {  	s10 =	sld [smem:$0x3FAE]  }
0x39: {  	_ = 	snop;
	(pc) =	sbr.ind lr, $3  }
0x3a: {  	_ = 	snop  }
0x3b: {  	_ = 	snop  }
0x3c: {  	p2 =	seq.s32 s10, $0x1;
	s10 =	sld [smem:$0x3FAD]  }
0x3d: {  	_ =	shalt  }
0x3e: {  	_ =	shalt  }
0x3f: {  	_ =	shalt  }
0x40: {  	_ =	shalt  }
0x41: {  	_ =	shalt  }
0x42: {  	_ =	shalt  }
0x43: {  	_ =	shalt  }
0x44: {  	_ =	shalt  }
0x45: {  	_ =	shalt  }
0x46: {  	_ =	shalt  }
0x47: {  	_ =	shalt  }
0x48: {  	_ =	shalt  }
0x49: {  	_ =	shalt  }
0x4a: {  	_ =	shalt  }
0x4b: {  	_ =	shalt  }
0x4c: {  	_ =	shalt  }
0x4d: {  	_ =	shalt  }
0x4e: {  	_ =	shalt  }
0x4f: {  	_ =	shalt  }
0x50: {  	_ =	shalt  }
0x51: {  	_ =	shalt  }
0x52: {  	_ =	shalt  }
0x53: {  	_ =	shalt  }
0x54: {  	_ =	shalt  }
0x55: {  	_ =	shalt  }
0x56: {  	_ =	shalt  }
0x57: {  	_ =	shalt  }
0x58: {  	_ =	shalt  }
0x59: {  	_ =	shalt  }
0x5a: {  	_ =	shalt  }
0x5b: {  	_ =	shalt  }
0x5c: {  	_ =	shalt  }
0x5d: {  	_ =	shalt  }
0x5e: {  	_ =	shalt  }
0x5f: {  	_ =	shalt  }
0x60: {  	_ =	shalt  }
0x61: {  	_ =	shalt  }
0x62: {  	_ =	shalt  }
0x63: {  	_ =	shalt  }
0x64: {  	_ =	shalt  }
0x65: {  	_ =	shalt  }
0x66: {  	_ =	shalt  }
0x67: {  	_ =	shalt  }
0x68: {  	_ =	shalt  }
0x69: {  	_ =	shalt  }
0x6a: {  	_ =	shalt  }
0x6b: {  	_ =	shalt  }
0x6c: {  	_ =	shalt  }
0x6d: {  	_ =	shalt  }
0x6e: {  	_ =	shalt  }
0x6f: {  	_ =	shalt  }
0x70: {  	_ =	shalt  }
0x71: {  	_ =	shalt  }
0x72: {  	_ =	shalt  }
0x73: {  	_ =	shalt  }
0x74: {  	_ =	shalt  }
0x75: {  	_ =	shalt  }
0x76: {  	_ =	shalt  }
0x77: {  	_ =	shalt  }
0x78: {  	_ =	shalt  }
0x79: {  	_ =	shalt  }
0x7a: {  	_ =	shalt  }
0x7b: {  	_ =	shalt  }
0x7c: {  	_ =	shalt  }
0x7d: {  	_ =	shalt  }
0x7e: {  	_ =	shalt  }
0x7f: {  	_ =	shalt  }
0x80: {  	_ =	shalt  }
0x81: {  	_ =	shalt  }
0x82: {  	_ =	shalt  }
0x83: {  	_ =	shalt  }
0x84: {  	_ =	shalt  }
0x85: {  	_ =	shalt  }
0x86: {  	_ =	shalt  }
0x87: {  	_ =	shalt  }
.Lfunc_end0:
.L_simem_size_0:
called_computation.1_lowered:
.L_overlay_start_0:
0x88: {  	s2 =	sld [smem:$0x3FD9]  }
0x89: {  	s3 =	sld [smem:$0x3FFE];
	_ =	sdelay $0x1  }
0x8a: {  	s1 =	srdreg.scid  }
0x8b: {  	s0 =	sand.u32 $0x1, s1  }
0x8c: {  	s14 =	sshll.u32 s0, $0xA;
	s2 =	sadd.s32 s3, s2  }
0x8d: {  	s2 =	sadd.s32 s2, s14  }
0x8e: {  	[smem:$0x3FB9] =	sst s2  }
0x8f: {  	_ = 	snop  }
0x90: {  	s2 =	sld [smem:$0x3FD0];
	_ =	sdelay $0x2  }
0x91: {  	s15 =	simm.s32 $0xA;
	s4 =	simm.s32 $0x10  }
0x92: {  	[smem:s4], [sflag:s15] =	dma.local [hbm:s2], $0x1  }
0x93: {  	_ =	swait.eq [sflag:s15], $0x1  }
0x94: {  	[sflag:s15] =	ssyncset.done $0x0  }
0x95: {  	[sflag:s15] =	ssyncadd.s32 $0xFFFFFFFF  }
0x96: {  	s16 =	sld [smem:$0x10];
	(tm) =	ssettm $0x1  }
0x97: {  	s17 =	sld [smem:$0x3FFB];
	_ =	sdelay $0x3  }
0x98: {  	_ =	strace s17  }
0x99: {  	s3 =	sld [smem:$0x3FFC];
	_ =	sdelay $0x3  }
0x9a: {  	_ =	strace s3  }
0x9b: {  	s3 =	sld [smem:$0x3FFD];
	_ =	sdelay $0x3  }
0x9c: {  	_ =	strace s3  }
0x9d: {  	_ =	strace $0x8FFFFFFF  }
0x9e: {  	s18 =	sld [smem:$0x3FDB];
	_ =	sdelay $0x1  }
0x9f: {  	s19 =	simm.s32 $_scs_section_size  }
0xa0: {  	s5 =	simm.s32 $_size__tile_overlayer_lowered;
	s6 =	simm.s32 $_tile_overlayer_lowered  }
0xa1: {  	s22 =	simm.s32 $0x1BFF;
	s21 =	sshll.u32 s6, $0x1;
	s3 =	sadd.s32 s19, s18  }
0xa2: {  	s7 =	simm.s32 $0x0;
	s20 =	sshll.u32 s5, $0x1;
	s5 =	sadd.s32 s21, s3  }
0xa3: {  	[timem:s7], [sflag:s22] =	dma.local [hbm:s5], s20  }
0xa4: {  	_ =	swait.ge [sflag:s22], s20  }
0xa5: {  	s4 =	ssub.s32 $0x0, s20;
	[sflag:s22] =	ssyncset.done $0x0  }
0xa6: {  	[sflag:s22] =	ssyncadd.s32 s4;
	_ =	sdelay $0x1  }
0xa7: {  	s23 =	simm.s32 $0x1B8B  }
0xa8: {  	_ =	swait.ge [sflag:s23], $0x1  }
0xa9: {  	[sflag:s23] =	ssyncset.done $0x0  }
0xaa: {  	s25 =	simm.s32 $0x1B8E;
	s24 =	sld [smem:$0x3FFE];
	[sflag:s23] =	ssyncadd.s32 $0xFFFFFFFF  }
0xab: {  	s26 =	simm.s32 $execute0_lowered;
	[smem:$0x3FD2] =	sst s25  }
0xac: {  	s5 =	sshll.u32 s26, $0x1;
	_ =	strace $0x80000049;
	[dreg:$0x1] =	wrdreg $0xFFFFFFFF  }
0xad: {  	s28 =	simm.s32 $_size_execute0_lowered;
	s3 =	sadd.s32 s3, s5;
	[dreg:$0x0] =	wrdreg $0x0  }
0xae: {  	s5 =	sshll.u32 s28, $0x1;
	[dreg:$0x2] =	wrdreg s3  }
0xaf: {  	[dreg:$0x3] =	wrdreg s5  }
0xb0: {  	[dreg:$0x4] =	wrdreg $0xC0  }
0xb1: {  	_ =	task [dreg:s7], $0x5FFFF  }
0xb2: {  	[dreg:$0x1] =	wrdreg $0xFFFFFFFF  }
0xb3: {  	[dreg:$0x0] =	wrdreg $0x60  }
0xb4: {  	[dreg:$0x2] =	wrdreg s24  }
0xb5: {  	[dreg:$0x3] =	wrdreg s16  }
0xb6: {  	[dreg:$0x4] =	wrdreg $0x9  }
0xb7: {  	_ =	task.clear_ibuf [dreg:s7], $0x5FFFF;
	_ =	strace $0x90000049  }
0xb8: {  	s29 =	simm.s32 $0x9;
	_ =	strace $0x8000004B  }
0xb9: {  	_ =	swait.ge [sflag:s29], $0x1  }
0xba: {  	[sflag:s29] =	ssyncadd.s32 $0xFFFFFFFF  }
0xbb: {  	_ =	strace $0x9000004B  }
0xbc: {  	_ =	sfence  }
0xbd: {  	s30 =	sld [smem:$0x0];
	_ =	sdelay $0x2  }
0xbe: {  	s31 =	sshll.u32 s1, $0xD;
	s1 =	sshrl.u32 s1, $0x2  }
0xbf: {  	s3 =	sand.u32 $0x4000, s31;
	s1 =	sadd.s32 s1, s30  }
0xc0: {  	s0 =	sor.u32 s3, s0;
	s1 =	sshll.u32 s1, $0x11  }
0xc1: {  	s0 =	sor.u32 s1, s0  }
0xc2: {  	s0 =	sadd.s32 $0x8F2B, s0  }
0xc3: {  	[sflag:s0] =	ssyncadd.remote.s32 $0x1  }
0xc4: {  	_ =	sfence.sel $0xFFFF  }
0xc5: {  	[dreg:$0x0] =	wrdreg $0xFFFFFFFF;
	(pc) =	sbr.abs _section_cstart, $3  }
0xc6: {  	[dreg:$0x1] =	wrdreg $0xFFFFFFFF  }
0xc7: {  	_ =	task.clear_ibuf [dreg:s7], $0x2FFFF;
	_ =	strace $0x9FFFFFFF  }
0xc8: {  	(tm) =	ssettm $0x7FFFFFFF  }
0xc9: {  	_ =	shalt  }
tec
execute0_lowered:
.L_overlay_start_1:
0x0: {  	(tag) =	ssettag $0x1  }
0x1: {  	s0 =	rddreg [dreg:$0x0]  }
0x2: {  	s1 =	rddreg [dreg:$0x1]  }
0x3: {  	s2 =	srdreg.scid;
	s4 =	stileid.u32;
	s18 =	simm.s32 $0x1  }
0x4: {  	s20 =	simm.s32 $0x880;
	s21 =	simm.s32 $0x1080;
	s28 =	simm.s32 $0x4080  }
0x5: {  	s29 =	simm.s32 $0x4880;
	s30 =	simm.s32 $0x5080;
	s31 =	simm.s32 $0x5880  }
0x6: {  	s11 =	simm.s32 $0x7880;
	s12 =	simm.s32 $0x8080;
	s13 =	simm.s32 $0x8880  }
0x7: {  	s14 =	simm.s32 $0x9080;
	s15 =	simm.s32 $0x9880;
	s16 =	simm.s32 $0xA080  }
0x8: {  	s17 =	simm.s32 $0xA880;
	s3 =	sand.u32 $0x1, s2;
	s2 =	simm.s32 $0x0  }
0x9: {  	s4 =	sshll.u32 s4, $0x8;
	s6 =	sadd.s32 $0x400, s0;
	s5 =	sshll.u32 s3, $0x7  }
0xa: {  	[smem:$0x7FF] =	sst s2;
	s22 =	ssub.s32 $0x2, s3;
	s3 =	sadd.s32 $0x600, s0  }
0xb: {  	s5 =	sor.u32 s5, s4;
	_ =	strace $0x8000004A;
	s7 =	sshrl.u32 s22, $0x1  }
0xc: {  	s4 =	sadd.s32 $0x700, s0;
	s23 =	sshrl.u32 s5, $0x3;
	s7 =	ssub.s32 s22, s7  }
0xd: {  	s24 =	sshll.u32 s5, $0x7;
	s9 =	sor.u32 $0x40, s5;
	s5 =	sadd.s32 $0x800, s0  }
0xe: {  	s22 =	simm.s32 $0x1880;
	s8 =	sadd.s32 s6, s23;
	s10 =	sshrl.u32 s9, $0x3  }
0xf: {  	s9 =	sshll.u32 s9, $0x7;
	s7 =	smax.u32 s7, $0x1;
	s23 =	simm.s32 $0x2080  }
0x10: {  	[dreg:$0x3] =	wrdreg s8;
	s8 =	sadd.s32 s1, s24;
	s25 =	sadd.s32 s6, s10  }
0x11: {  	s6 =	sadd.s32 $0x900, s0;
	s26 =	sadd.s32 s1, s9;
	[dreg:$0x4] =	wrdreg s8  }
0x12: {  	v2 =	vlaneseq.u32;
	s0 =	simm.s32 $0x80;
	s24 =	simm.s32 $0x2880;
	[dreg:$0x5] =	wrdreg s25  }
0x13: {  	vm0 =	vmmov $0xffff;
	v1 =	vshrl.u32 v2, $0x3;
	s10 =	simm.s32 $0x7080;
	s9 =	simm.s32 $0xB080;
	[dreg:$0x6] =	wrdreg s26  }
0x14: {  	v0 =	vand.u32 $0x7, v2;
	v2 =	vor.u32 $0x8, v2;
	v1 =	vmul.u32 $0x8, v1;
	s8 =	simm.s32 $0x2;
	s25 =	simm.s32 $0x3080;
	s26 =	simm.s32 $0x3880  }
.LBB2_1:
0x15: {  	s19 =	rddreg [dreg:$0x3]  }
0x16: {  	[tilespmem:s2], [sflag:$0x2] =	stream.linear.gather [hbm4b:s19+s2], $0x40, $0x38;
	[tilespmem:$0x10080] =	vst v63  }
0x17: {  	_ =	swait.ge [sflag:s8], $0x40  }
0x18: {  	[sflag:s8] =	ssyncset.done $0x0  }
0x19: {  	[sflag:s8] =	ssyncadd.s32 $0xFFFFFFC0  }
0x1a: {  	v3 =	vld [tilespmem:$0x0];
	_ =	sdelay $0x4  }
0x1b: {  	v4 =	vshll.u32 v3, $0x3  }
0x1c: {  	v3 =	vand.u32 $0x7, v3;
	v4 =	vand.u32 $0xFFFFFFC0, v4  }
0x1d: {  	v3 =	vor.u32 v3, v4  }
0x1e: {  	v4 =	vperm.xlane v3, v0;
	_ =	sdelay $0x1  }
0x1f: {  	v4 =	vadd.s32 v1, v4;
	_ =	sdelay $0x4  }
0x20: {  	[tilespmem:s0], [sflag:$0x1] =	stream.indirect_vreg.gather [hbm4b:s3+s2], $0x80, v4, vm0, $0xb8;
	[tilespmem:$0x10080] =	vst v63  }
0x21: {  	v3 =	vperm.xlane v3, v2  }
0x22: {  	[tilespmem:s20], [sflag:$0x1] =	stream.indirect_vreg.gather [hbm4b:s4+s2], $0x80, v4, vm0, $0xb8;
	[tilespmem:$0x10080] =	vst v63  }
0x23: {  	v3 =	vadd.s32 v1, v3  }
0x24: {  	[tilespmem:s21], [sflag:$0x1] =	stream.indirect_vreg.gather [hbm4b:s5+s2], $0x80, v4, vm0, $0xb8;
	[tilespmem:$0x10080] =	vst v63  }
0x25: {  	_ = 	snop  }
0x26: {  	[tilespmem:s22], [sflag:$0x1] =	stream.indirect_vreg.gather [hbm4b:s6+s2], $0x80, v4, vm0, $0xb8;
	[tilespmem:$0x10080] =	vst v63  }
0x27: {  	_ = 	snop  }
0x28: {  	[tilespmem:s23], [sflag:$0x1] =	stream.indirect_vreg.gather [hbm4b:s3+s2], $0x80, v3, vm0, $0xb8;
	[tilespmem:$0x10080] =	vst v63  }
0x29: {  	_ = 	snop  }
0x2a: {  	[tilespmem:s24], [sflag:$0x1] =	stream.indirect_vreg.gather [hbm4b:s4+s2], $0x80, v3, vm0, $0xb8;
	[tilespmem:$0x10080] =	vst v63  }
0x2b: {  	_ = 	snop  }
0x2c: {  	[tilespmem:s25], [sflag:$0x1] =	stream.indirect_vreg.gather [hbm4b:s5+s2], $0x80, v3, vm0, $0xb8;
	[tilespmem:$0x10080] =	vst v63  }
0x2d: {  	_ = 	snop  }
0x2e: {  	[tilespmem:s26], [sflag:$0x1] =	stream.indirect_vreg.gather [hbm4b:s6+s2], $0x80, v3, vm0, $0xb8;
	[tilespmem:$0x10080] =	vst v63  }
0x2f: {  	v3 =	vld [tilespmem:$0x10];
	_ =	sdelay $0x4  }
0x30: {  	v57 =	vshll.u32 v3, $0x3  }
0x31: {  	v3 =	vand.u32 $0x7, v3;
	v4 =	vand.u32 $0xFFFFFFC0, v57  }
0x32: {  	v3 =	vor.u32 v3, v4  }
0x33: {  	v4 =	vperm.xlane v3, v0;
	_ =	sdelay $0x1  }
0x34: {  	v4 =	vadd.s32 v1, v4;
	_ =	sdelay $0x4  }
0x35: {  	[tilespmem:s28], [sflag:$0x1] =	stream.indirect_vreg.gather [hbm4b:s3+s2], $0x80, v4, vm0, $0xb8;
	[tilespmem:$0x10080] =	vst v63  }
0x36: {  	v3 =	vperm.xlane v3, v2  }
0x37: {  	[tilespmem:s29], [sflag:$0x1] =	stream.indirect_vreg.gather [hbm4b:s4+s2], $0x80, v4, vm0, $0xb8;
	[tilespmem:$0x10080] =	vst v63  }
0x38: {  	v3 =	vadd.s32 v1, v3  }
0x39: {  	[tilespmem:s30], [sflag:$0x1] =	stream.indirect_vreg.gather [hbm4b:s5+s2], $0x80, v4, vm0, $0xb8;
	[tilespmem:$0x10080] =	vst v63  }
0x3a: {  	_ = 	snop  }
0x3b: {  	[tilespmem:s31], [sflag:$0x1] =	stream.indirect_vreg.gather [hbm4b:s6+s2], $0x80, v4, vm0, $0xb8;
	[tilespmem:$0x10080] =	vst v63  }
0x3c: {  	s1 =	simm.s32 $0x6080  }
0x3d: {  	[tilespmem:s1], [sflag:$0x1] =	stream.indirect_vreg.gather [hbm4b:s3+s2], $0x80, v3, vm0, $0xb8;
	[tilespmem:$0x10080] =	vst v63  }
0x3e: {  	s1 =	simm.s32 $0x6880  }
0x3f: {  	[tilespmem:s1], [sflag:$0x1] =	stream.indirect_vreg.gather [hbm4b:s4+s2], $0x80, v3, vm0, $0xb8;
	[tilespmem:$0x10080] =	vst v63  }
0x40: {  	_ = 	snop  }
0x41: {  	[tilespmem:s10], [sflag:$0x1] =	stream.indirect_vreg.gather [hbm4b:s5+s2], $0x80, v3, vm0, $0xb8;
	[tilespmem:$0x10080] =	vst v63  }
0x42: {  	_ = 	snop  }
0x43: {  	[tilespmem:s11], [sflag:$0x1] =	stream.indirect_vreg.gather [hbm4b:s6+s2], $0x80, v3, vm0, $0xb8;
	[tilespmem:$0x10080] =	vst v63  }
0x44: {  	v3 =	vld [tilespmem:$0x20];
	_ =	sdelay $0x4  }
0x45: {  	v58 =	vshll.u32 v3, $0x3  }
0x46: {  	v3 =	vand.u32 $0x7, v3;
	v4 =	vand.u32 $0xFFFFFFC0, v58  }
0x47: {  	v3 =	vor.u32 v3, v4  }
0x48: {  	v4 =	vperm.xlane v3, v0;
	_ =	sdelay $0x1  }
0x49: {  	v4 =	vadd.s32 v1, v4;
	_ =	sdelay $0x4  }
0x4a: {  	[tilespmem:s12], [sflag:$0x1] =	stream.indirect_vreg.gather [hbm4b:s3+s2], $0x80, v4, vm0, $0xb8;
	[tilespmem:$0x10080] =	vst v63  }
0x4b: {  	v3 =	vperm.xlane v3, v2  }
0x4c: {  	[tilespmem:s13], [sflag:$0x1] =	stream.indirect_vreg.gather [hbm4b:s4+s2], $0x80, v4, vm0, $0xb8;
	[tilespmem:$0x10080] =	vst v63  }
0x4d: {  	v3 =	vadd.s32 v1, v3  }
0x4e: {  	[tilespmem:s14], [sflag:$0x1] =	stream.indirect_vreg.gather [hbm4b:s5+s2], $0x80, v4, vm0, $0xb8;
	[tilespmem:$0x10080] =	vst v63  }
0x4f: {  	_ = 	snop  }
0x50: {  	[tilespmem:s15], [sflag:$0x1] =	stream.indirect_vreg.gather [hbm4b:s6+s2], $0x80, v4, vm0, $0xb8;
	[tilespmem:$0x10080] =	vst v63  }
0x51: {  	_ = 	snop  }
0x52: {  	[tilespmem:s16], [sflag:$0x1] =	stream.indirect_vreg.gather [hbm4b:s3+s2], $0x80, v3, vm0, $0xb8;
	[tilespmem:$0x10080] =	vst v63  }
0x53: {  	_ = 	snop  }
0x54: {  	[tilespmem:s17], [sflag:$0x1] =	stream.indirect_vreg.gather [hbm4b:s4+s2], $0x80, v3, vm0, $0xb8;
	[tilespmem:$0x10080] =	vst v63  }
0x55: {  	_ = 	snop  }
0x56: {  	[tilespmem:s9], [sflag:$0x1] =	stream.indirect_vreg.gather [hbm4b:s5+s2], $0x80, v3, vm0, $0xb8;
	[tilespmem:$0x10080] =	vst v63  }
0x57: {  	s19 =	simm.s32 $0xB880  }
0x58: {  	[tilespmem:s19], [sflag:$0x1] =	stream.indirect_vreg.gather [hbm4b:s6+s2], $0x80, v3, vm0, $0xb8;
	[tilespmem:$0x10080] =	vst v63  }
0x59: {  	v3 =	vld [tilespmem:$0x30];
	_ =	sdelay $0x4  }
0x5a: {  	v59 =	vshll.u32 v3, $0x3  }
0x5b: {  	v3 =	vand.u32 $0x7, v3;
	v4 =	vand.u32 $0xFFFFFFC0, v59  }
0x5c: {  	v3 =	vor.u32 v3, v4  }
0x5d: {  	v4 =	vperm.xlane v3, v0;
	_ =	sdelay $0x1  }
0x5e: {  	v4 =	vadd.s32 v1, v4;
	_ =	sdelay $0x3  }
0x5f: {  	s19 =	simm.s32 $0xC080  }
0x60: {  	[tilespmem:s19], [sflag:$0x1] =	stream.indirect_vreg.gather [hbm4b:s3+s2], $0x80, v4, vm0, $0xb8;
	[tilespmem:$0x10080] =	vst v63  }
0x61: {  	v3 =	vperm.xlane v3, v2;
	s19 =	simm.s32 $0xC880  }
0x62: {  	[tilespmem:s19], [sflag:$0x1] =	stream.indirect_vreg.gather [hbm4b:s4+s2], $0x80, v4, vm0, $0xb8;
	[tilespmem:$0x10080] =	vst v63  }
0x63: {  	v3 =	vadd.s32 v1, v3;
	s19 =	simm.s32 $0xD080  }
0x64: {  	[tilespmem:s19], [sflag:$0x1] =	stream.indirect_vreg.gather [hbm4b:s5+s2], $0x80, v4, vm0, $0xb8;
	[tilespmem:$0x10080] =	vst v63  }
0x65: {  	s19 =	simm.s32 $0xD880  }
0x66: {  	[tilespmem:s19], [sflag:$0x1] =	stream.indirect_vreg.gather [hbm4b:s6+s2], $0x80, v4, vm0, $0xb8;
	[tilespmem:$0x10080] =	vst v63  }
0x67: {  	s19 =	simm.s32 $0xE080  }
0x68: {  	[tilespmem:s19], [sflag:$0x1] =	stream.indirect_vreg.gather [hbm4b:s3+s2], $0x80, v3, vm0, $0xb8;
	[tilespmem:$0x10080] =	vst v63  }
0x69: {  	s19 =	simm.s32 $0xE880  }
0x6a: {  	[tilespmem:s19], [sflag:$0x1] =	stream.indirect_vreg.gather [hbm4b:s4+s2], $0x80, v3, vm0, $0xb8;
	[tilespmem:$0x10080] =	vst v63  }
0x6b: {  	s19 =	simm.s32 $0xF080  }
0x6c: {  	[tilespmem:s19], [sflag:$0x1] =	stream.indirect_vreg.gather [hbm4b:s5+s2], $0x80, v3, vm0, $0xb8;
	[tilespmem:$0x10080] =	vst v63  }
0x6d: {  	s19 =	simm.s32 $0xF880  }
0x6e: {  	[tilespmem:s19], [sflag:$0x1] =	stream.indirect_vreg.gather [hbm4b:s6+s2], $0x80, v3, vm0, $0xb8;
	[tilespmem:$0x10080] =	vst v63  }
0x6f: {  	_ =	swait.ge [sflag:s18], $0x10000  }
0x70: {  	[sflag:s18] =	ssyncset.done $0x0  }
0x71: {  	s19 =	rddreg [dreg:$0x4];
	[sflag:s18] =	ssyncadd.s32 $0xFFFF0000  }
0x72: {  	[hbm4b:s19+s2] =	stream.linear.scatter [tilespmem:s0], [sflag:$0x2], $0x10000, $0x38;
	[tilespmem:$0x10080] =	vst v63  }
0x73: {  	_ =	swait.ge [sflag:s8], $0x10000  }
0x74: {  	[sflag:s8] =	ssyncset.done $0x0  }
0x75: {  	s19 =	rddreg [dreg:$0x5];
	[sflag:s8] =	ssyncadd.s32 $0xFFFF0000  }
0x76: {  	[tilespmem:s2], [sflag:$0x2] =	stream.linear.gather [hbm4b:s19+s2], $0x40, $0x38;
	[tilespmem:$0x10080] =	vst v63  }
0x77: {  	_ =	swait.ge [sflag:s8], $0x40  }
0x78: {  	[sflag:s8] =	ssyncset.done $0x0  }
0x79: {  	[sflag:s8] =	ssyncadd.s32 $0xFFFFFFC0  }
0x7a: {  	v3 =	vld [tilespmem:$0x0];
	_ =	sdelay $0x4  }
0x7b: {  	v60 =	vshll.u32 v3, $0x3  }
0x7c: {  	v3 =	vand.u32 $0x7, v3;
	v4 =	vand.u32 $0xFFFFFFC0, v60  }
0x7d: {  	v3 =	vor.u32 v3, v4  }
0x7e: {  	v4 =	vperm.xlane v3, v0;
	_ =	sdelay $0x1  }
0x7f: {  	v4 =	vadd.s32 v1, v4;
	_ =	sdelay $0x4  }
0x80: {  	[tilespmem:s0], [sflag:$0x1] =	stream.indirect_vreg.gather [hbm4b:s3+s2], $0x80, v4, vm0, $0xb8;
	[tilespmem:$0x10080] =	vst v63  }
0x81: {  	v3 =	vperm.xlane v3, v2  }
0x82: {  	[tilespmem:s20], [sflag:$0x1] =	stream.indirect_vreg.gather [hbm4b:s4+s2], $0x80, v4, vm0, $0xb8;
	[tilespmem:$0x10080] =	vst v63  }
0x83: {  	v3 =	vadd.s32 v1, v3  }
0x84: {  	[tilespmem:s21], [sflag:$0x1] =	stream.indirect_vreg.gather [hbm4b:s5+s2], $0x80, v4, vm0, $0xb8;
	[tilespmem:$0x10080] =	vst v63  }
0x85: {  	_ = 	snop  }
0x86: {  	[tilespmem:s22], [sflag:$0x1] =	stream.indirect_vreg.gather [hbm4b:s6+s2], $0x80, v4, vm0, $0xb8;
	[tilespmem:$0x10080] =	vst v63  }
0x87: {  	_ = 	snop  }
0x88: {  	[tilespmem:s23], [sflag:$0x1] =	stream.indirect_vreg.gather [hbm4b:s3+s2], $0x80, v3, vm0, $0xb8;
	[tilespmem:$0x10080] =	vst v63  }
0x89: {  	_ = 	snop  }
0x8a: {  	[tilespmem:s24], [sflag:$0x1] =	stream.indirect_vreg.gather [hbm4b:s4+s2], $0x80, v3, vm0, $0xb8;
	[tilespmem:$0x10080] =	vst v63  }
0x8b: {  	_ = 	snop  }
0x8c: {  	[tilespmem:s25], [sflag:$0x1] =	stream.indirect_vreg.gather [hbm4b:s5+s2], $0x80, v3, vm0, $0xb8;
	[tilespmem:$0x10080] =	vst v63  }
0x8d: {  	_ = 	snop  }
0x8e: {  	[tilespmem:s26], [sflag:$0x1] =	stream.indirect_vreg.gather [hbm4b:s6+s2], $0x80, v3, vm0, $0xb8;
	[tilespmem:$0x10080] =	vst v63  }
0x8f: {  	v3 =	vld [tilespmem:$0x10];
	_ =	sdelay $0x4  }
0x90: {  	v61 =	vshll.u32 v3, $0x3  }
0x91: {  	v3 =	vand.u32 $0x7, v3;
	v4 =	vand.u32 $0xFFFFFFC0, v61  }
0x92: {  	v3 =	vor.u32 v3, v4  }
0x93: {  	v4 =	vperm.xlane v3, v0;
	_ =	sdelay $0x1  }
0x94: {  	v4 =	vadd.s32 v1, v4;
	_ =	sdelay $0x4  }
0x95: {  	[tilespmem:s28], [sflag:$0x1] =	stream.indirect_vreg.gather [hbm4b:s3+s2], $0x80, v4, vm0, $0xb8;
	[tilespmem:$0x10080] =	vst v63  }
0x96: {  	v3 =	vperm.xlane v3, v2  }
0x97: {  	[tilespmem:s29], [sflag:$0x1] =	stream.indirect_vreg.gather [hbm4b:s4+s2], $0x80, v4, vm0, $0xb8;
	[tilespmem:$0x10080] =	vst v63  }
0x98: {  	v3 =	vadd.s32 v1, v3  }
0x99: {  	[tilespmem:s30], [sflag:$0x1] =	stream.indirect_vreg.gather [hbm4b:s5+s2], $0x80, v4, vm0, $0xb8;
	[tilespmem:$0x10080] =	vst v63  }
0x9a: {  	_ = 	snop  }
0x9b: {  	[tilespmem:s31], [sflag:$0x1] =	stream.indirect_vreg.gather [hbm4b:s6+s2], $0x80, v4, vm0, $0xb8;
	[tilespmem:$0x10080] =	vst v63  }
0x9c: {  	s19 =	simm.s32 $0x6080  }
0x9d: {  	[tilespmem:s19], [sflag:$0x1] =	stream.indirect_vreg.gather [hbm4b:s3+s2], $0x80, v3, vm0, $0xb8;
	[tilespmem:$0x10080] =	vst v63  }
0x9e: {  	_ = 	snop  }
0x9f: {  	[tilespmem:s1], [sflag:$0x1] =	stream.indirect_vreg.gather [hbm4b:s4+s2], $0x80, v3, vm0, $0xb8;
	[tilespmem:$0x10080] =	vst v63  }
0xa0: {  	_ = 	snop  }
0xa1: {  	[tilespmem:s10], [sflag:$0x1] =	stream.indirect_vreg.gather [hbm4b:s5+s2], $0x80, v3, vm0, $0xb8;
	[tilespmem:$0x10080] =	vst v63  }
0xa2: {  	_ = 	snop  }
0xa3: {  	[tilespmem:s11], [sflag:$0x1] =	stream.indirect_vreg.gather [hbm4b:s6+s2], $0x80, v3, vm0, $0xb8;
	[tilespmem:$0x10080] =	vst v63  }
0xa4: {  	v3 =	vld [tilespmem:$0x20];
	_ =	sdelay $0x4  }
0xa5: {  	v62 =	vshll.u32 v3, $0x3  }
0xa6: {  	v3 =	vand.u32 $0x7, v3;
	v4 =	vand.u32 $0xFFFFFFC0, v62  }
0xa7: {  	v3 =	vor.u32 v3, v4  }
0xa8: {  	v4 =	vperm.xlane v3, v0;
	_ =	sdelay $0x1  }
0xa9: {  	v4 =	vadd.s32 v1, v4;
	_ =	sdelay $0x4  }
0xaa: {  	[tilespmem:s12], [sflag:$0x1] =	stream.indirect_vreg.gather [hbm4b:s3+s2], $0x80, v4, vm0, $0xb8;
	[tilespmem:$0x10080] =	vst v63  }
0xab: {  	v3 =	vperm.xlane v3, v2  }
0xac: {  	[tilespmem:s13], [sflag:$0x1] =	stream.indirect_vreg.gather [hbm4b:s4+s2], $0x80, v4, vm0, $0xb8;
	[tilespmem:$0x10080] =	vst v63  }
0xad: {  	v3 =	vadd.s32 v1, v3  }
0xae: {  	[tilespmem:s14], [sflag:$0x1] =	stream.indirect_vreg.gather [hbm4b:s5+s2], $0x80, v4, vm0, $0xb8;
	[tilespmem:$0x10080] =	vst v63  }
0xaf: {  	_ = 	snop  }
0xb0: {  	[tilespmem:s15], [sflag:$0x1] =	stream.indirect_vreg.gather [hbm4b:s6+s2], $0x80, v4, vm0, $0xb8;
	[tilespmem:$0x10080] =	vst v63  }
0xb1: {  	_ = 	snop  }
0xb2: {  	[tilespmem:s16], [sflag:$0x1] =	stream.indirect_vreg.gather [hbm4b:s3+s2], $0x80, v3, vm0, $0xb8;
	[tilespmem:$0x10080] =	vst v63  }
0xb3: {  	_ = 	snop  }
0xb4: {  	[tilespmem:s17], [sflag:$0x1] =	stream.indirect_vreg.gather [hbm4b:s4+s2], $0x80, v3, vm0, $0xb8;
	[tilespmem:$0x10080] =	vst v63  }
0xb5: {  	_ = 	snop  }
0xb6: {  	[tilespmem:s9], [sflag:$0x1] =	stream.indirect_vreg.gather [hbm4b:s5+s2], $0x80, v3, vm0, $0xb8;
	[tilespmem:$0x10080] =	vst v63  }
0xb7: {  	s19 =	simm.s32 $0xB880  }
0xb8: {  	[tilespmem:s19], [sflag:$0x1] =	stream.indirect_vreg.gather [hbm4b:s6+s2], $0x80, v3, vm0, $0xb8;
	[tilespmem:$0x10080] =	vst v63  }
0xb9: {  	v3 =	vld [tilespmem:$0x30];
	_ =	sdelay $0x4  }
0xba: {  	v63 =	vshll.u32 v3, $0x3  }
0xbb: {  	v3 =	vand.u32 $0x7, v3;
	v4 =	vand.u32 $0xFFFFFFC0, v63  }
0xbc: {  	v3 =	vor.u32 v3, v4  }
0xbd: {  	v4 =	vperm.xlane v3, v0;
	_ =	sdelay $0x1  }
0xbe: {  	v4 =	vadd.s32 v1, v4;
	_ =	sdelay $0x3  }
0xbf: {  	s19 =	simm.s32 $0xC080  }
0xc0: {  	[tilespmem:s19], [sflag:$0x1] =	stream.indirect_vreg.gather [hbm4b:s3+s2], $0x80, v4, vm0, $0xb8;
	[tilespmem:$0x10080] =	vst v63  }
0xc1: {  	v3 =	vperm.xlane v3, v2;
	s19 =	simm.s32 $0xC880  }
0xc2: {  	[tilespmem:s19], [sflag:$0x1] =	stream.indirect_vreg.gather [hbm4b:s4+s2], $0x80, v4, vm0, $0xb8;
	[tilespmem:$0x10080] =	vst v63  }
0xc3: {  	v3 =	vadd.s32 v1, v3;
	s19 =	simm.s32 $0xD080  }
0xc4: {  	[tilespmem:s19], [sflag:$0x1] =	stream.indirect_vreg.gather [hbm4b:s5+s2], $0x80, v4, vm0, $0xb8;
	[tilespmem:$0x10080] =	vst v63  }
0xc5: {  	s19 =	simm.s32 $0xD880  }
0xc6: {  	[tilespmem:s19], [sflag:$0x1] =	stream.indirect_vreg.gather [hbm4b:s6+s2], $0x80, v4, vm0, $0xb8;
	[tilespmem:$0x10080] =	vst v63  }
0xc7: {  	s19 =	simm.s32 $0xE080  }
0xc8: {  	[tilespmem:s19], [sflag:$0x1] =	stream.indirect_vreg.gather [hbm4b:s3+s2], $0x80, v3, vm0, $0xb8;
	[tilespmem:$0x10080] =	vst v63  }
0xc9: {  	s19 =	simm.s32 $0xE880  }
0xca: {  	[tilespmem:s19], [sflag:$0x1] =	stream.indirect_vreg.gather [hbm4b:s4+s2], $0x80, v3, vm0, $0xb8;
	[tilespmem:$0x10080] =	vst v63  }
0xcb: {  	s19 =	simm.s32 $0xF080  }
0xcc: {  	[tilespmem:s19], [sflag:$0x1] =	stream.indirect_vreg.gather [hbm4b:s5+s2], $0x80, v3, vm0, $0xb8;
	[tilespmem:$0x10080] =	vst v63  }
0xcd: {  	s19 =	simm.s32 $0xF880  }
0xce: {  	[tilespmem:s19], [sflag:$0x1] =	stream.indirect_vreg.gather [hbm4b:s6+s2], $0x80, v3, vm0, $0xb8;
	[tilespmem:$0x10080] =	vst v63  }
0xcf: {  	_ =	swait.ge [sflag:s18], $0x10000  }
0xd0: {  	p0 =	sne.s32 s7, $0x1;
	[sflag:s18] =	ssyncset.done $0x0  }
.Ltmp0:
0xd1: {  	s1 =	rddreg [dreg:$0x6];
	[sflag:s18] =	ssyncadd.s32 $0xFFFF0000;
	(pc) =	sbr.rel @p0 .LBB2_1-.Ltmp0, $4  }
0xd2: {  	[hbm4b:s1+s2] =	stream.linear.scatter [tilespmem:s0], [sflag:$0x2], $0x10000, $0x38;
	[tilespmem:$0x10080] =	vst v63  }
0xd3: {  	_ =	swait.ge [sflag:s8], $0x10000  }
0xd4: {  	[sflag:s8] =	ssyncset.done $0x0  }
0xd5: {  	s7 =	sadd.s32 $0xFFFFFFFF, s7;
	[sflag:s8] =	ssyncadd.s32 $0xFFFF0000  }
0xd6: {  	_ =	sfence.sel $0x180000  }
0xd7: {  	[bflag:$0x0] =	sbarrier.arrive $0xFFFF  }
0xd8: {  	_ =	strace $0x9000004A  }
0xd9: {  	s0 =	stileid.u32;
	[bflag:$0x2] =	sbarrier.arrive $0xFFFF  }
0xda: {  	p0 =	sne.s32 s0, $0x0;
	s0 =	rddreg [dreg:$0x2]  }
0xdb: {  	s0 =	sadd.s32 @!p0 $0x100000, s0  }
0xdc: {  	[sflag:s0] =	ssyncadd.tile.s32 @!p0 $0x1;
	_ =	shalt  }
.Lfunc_end2:
_tile_overlayer_lowered:
.L_overlay_start_2:
0xdd: {  	(tag) =	ssettag $0x2  }
0xde: {  	s0 =	rddreg [dreg:$0x0];
	s2 =	stileid.u32  }
0xdf: {  	s1 =	rddreg [dreg:$0x1];
	p0 =	sne.s32 s2, $0x0  }
0xe0: {  	s3 =	rddreg [dreg:$0x2];
	[bflag:$0x3] =	sbarrier.arrive $0xFFFF;
	s2 =	simm.s32 @!p0 $0x1C02  }
0xe1: {  	[timem:s3], [sflag:s2] =	dma.local @!p0 [hbm:s0], s1  }
0xe2: {  	s0 =	simm.s32 @!p0 $0x2  }
0xe3: {  	_ =	swait.ge @!p0 [sflag:s0], s1  }
0xe4: {  	s1 =	ssub.s32 @!p0 $0x0, s1;
	[sflag:s0] =	ssyncset.done @!p0 $0x0  }
0xe5: {  	[sflag:s0] =	ssyncadd.s32 @!p0 s1  }
0xe6: {  	[bflag:$0x3] =	sbarrier.arrive $0xFFFF  }
0xe7: {  	_ =	shalt  }

</sc_bundles>
